<compile_context>
chip_gen: v7x
topology: tpu7x:2x2x1
jax: 0.10.2.dev20260603
libtpu: 0.0.44.dev20260713+nightly
codegen_flags: <defaults>
</compile_context>

<pallas_src>
import functools

import jax
import jax.numpy as jnp
from jax import lax
from jax.experimental import pallas as pl
from jax.experimental.pallas import tpu as pltpu
from jax.experimental.pallas import tpu_sc as plsc

N = 100000
E = 6400000
NP = 100352
CE = 2048
CHUNKS = E // CE
NW = 32
MAIN = CHUNKS // NW
EXTRA = CHUNKS - NW * MAIN
SLICE = NP // 16

_mesh = plsc.VectorSubcoreMesh(core_axis_name="c", subcore_axis_name="s")


@functools.partial(
    pl.kernel,
    mesh=_mesh,
    out_type=(jax.ShapeDtypeStruct((NP,), jnp.float32),
              jax.ShapeDtypeStruct((NP,), jnp.float32)),
    compiler_params=pltpu.CompilerParams(needs_layout_passes=False),
    scratch_types=[
        pltpu.VMEM((NP,), jnp.float32),
        pltpu.VMEM((SLICE,), jnp.float32),
        pltpu.VMEM((CE,), jnp.int32),
        pltpu.VMEM((CE,), jnp.int32),
        pltpu.VMEM((CE,), jnp.float32),
        pltpu.VMEM((CE,), jnp.float32),
        pltpu.VMEM((CE,), jnp.int32),
        pltpu.VMEM((CE,), jnp.int32),
        pltpu.VMEM((CE,), jnp.float32),
        pltpu.VMEM((CE,), jnp.float32),
        pltpu.VMEM_SHARED((NP,), jnp.float32),
        pltpu.SemaphoreType.DMA,
        pltpu.SemaphoreType.DMA,
        pltpu.SemaphoreType.DMA,
    ],
)
def _sc_scatter(t_hbm, ei_hbm, w_hbm, out0_hbm, out1_hbm,
                t_local, zbuf,
                srcb0, dstb0, wb0, msgb0,
                srcb1, dstb1, wb1, msgb1,
                acc, sem_in0, sem_in1, sem_sc):
    srcb = (srcb0, srcb1)
    dstb = (dstb0, dstb1)
    wb = (wb0, wb1)
    msgb = (msgb0, msgb1)
    sem_in = (sem_in0, sem_in1)

    cid = lax.axis_index("c")
    sid = lax.axis_index("s")
    wid = sid * 2 + cid

    def _zero(i, carry):
        zbuf[pl.ds(i * 16, 16)] = jnp.zeros((16,), jnp.float32)
        return carry
    lax.fori_loop(0, SLICE // 16, _zero, 0)
    pltpu.sync_copy(zbuf, acc.at[pl.ds(sid * SLICE, SLICE)])

    pltpu.sync_copy(t_hbm, t_local)
    plsc.subcore_barrier()

    base = wid * MAIN

    def start_in(b, c):
        e0 = c * CE
        pltpu.async_copy(ei_hbm.at[0, pl.ds(e0, CE)], srcb[b], sem_in[b])
        pltpu.async_copy(ei_hbm.at[1, pl.ds(e0, CE)], dstb[b], sem_in[b])
        pltpu.async_copy(w_hbm.at[pl.ds(e0, CE)], wb[b], sem_in[b])

    def wait_in(b):
        pltpu.make_async_copy(ei_hbm.at[0, pl.ds(0, CE)], srcb[b], sem_in[b]).wait()
        pltpu.make_async_copy(ei_hbm.at[1, pl.ds(0, CE)], dstb[b], sem_in[b]).wait()
        pltpu.make_async_copy(w_hbm.at[pl.ds(0, CE)], wb[b], sem_in[b]).wait()

    def compute(b):
        @plsc.parallel_loop(0, CE, 16, unroll=4)
        def _it(i):
            idx = srcb[b][pl.ds(i, 16)]
            tv = plsc.load_gather(t_local, [idx])
            msgb[b][pl.ds(i, 16)] = tv * wb[b][pl.ds(i, 16)]

    def scatter(b):
        return pltpu.async_copy(msgb[b], acc.at[dstb[b]], sem_sc, add=True)

    start_in(0, base)

    @pl.loop(0, MAIN - 1, step=2)
    def _main(g):
        for b in (0, 1):
            c = base + g + b
            wait_in(b)
            compute(b)
            d = scatter(b)
            start_in(1 - b, c + 1)
            d.wait()

    wait_in(0)
    compute(0)
    scatter(0).wait()

    @pl.when(wid < EXTRA)
    def _extra():
        e0 = (NW * MAIN + wid) * CE
        pltpu.sync_copy(ei_hbm.at[0, pl.ds(e0, CE)], srcb0)
        pltpu.sync_copy(ei_hbm.at[1, pl.ds(e0, CE)], dstb0)
        pltpu.sync_copy(w_hbm.at[pl.ds(e0, CE)], wb0)
        compute(0)
        scatter(0).wait()

    plsc.subcore_barrier()
    pltpu.sync_copy(acc.at[pl.ds(sid * SLICE, SLICE)], zbuf)

    @pl.when(cid == 0)
    def _w0():
        pltpu.sync_copy(zbuf, out0_hbm.at[pl.ds(sid * SLICE, SLICE)])

    @pl.when(cid == 1)
    def _w1():
        pltpu.sync_copy(zbuf, out1_hbm.at[pl.ds(sid * SLICE, SLICE)])


def _tanh_body(v_ref, o_ref):
    o_ref[...] = jnp.tanh(v_ref[...])


def _finish_body(v_ref, p0_ref, p1_ref, o_ref):
    o_ref[...] = v_ref[...] - p0_ref[...] - p1_ref[...]


def kernel(values, weights, edge_index):
    v1 = jnp.pad(values, (0, NP - N))
    t1 = pl.pallas_call(
        _tanh_body,
        out_shape=jax.ShapeDtypeStruct((NP,), jnp.float32),
    )(v1)
    preds0, preds1 = _sc_scatter(t1, edge_index, weights)
    e1 = pl.pallas_call(
        _finish_body,
        out_shape=jax.ShapeDtypeStruct((NP,), jnp.float32),
    )(v1, preds0, preds1)
    return e1[:N]

# --- scband reference (transcript-rebuilt; emitter-appended) ---
"""Pipeline reference for scband-pcgraph-conv-30356828848591 (READ-ONLY COPY).

The authoritative reference and input builder live on the scoring server;
editing this copy changes nothing except your own understanding.
"""

import jax, jax.numpy as jnp
import numpy as np

NUM_VERTICES = 100000
NUM_EDGES = 6400000
BATCH = 1
N = NUM_VERTICES * BATCH


def setup_inputs(seed: int = 0) -> dict:
    key = jax.random.key(seed)
    k1, k2, k3 = jax.random.split(key, 3)
    # per-vertex activity values (predictive-coding state), one scalar per vertex
    values = jax.random.normal(k1, (N,), dtype=jnp.float32)
    # learned per-edge scalar weights, init ~ normal(0, 0.01) per weight_init='normal 0.0'
    weights = jax.random.normal(k2, (NUM_EDGES,), dtype=jnp.float32) * 0.01
    # graph structure: row 0 = src, row 1 = dst
    edge_index = jax.random.randint(k3, (2, NUM_EDGES), 0, N, dtype=jnp.int32)
    return {"values": values, "weights": weights, "edge_index": edge_index}


def reference(values, weights, edge_index):
    # Faithful core of PCGraphConv's PredictionMessagePassing step:
    #   prediction mu_i = sum_{(j->i) in E} w_ji * f(v_j)   (f = tanh activation)
    #   error     e_i  = v_i - mu_i
    # norm is 1 (normalize_msg=False), no bias (use_bias=False).
    src = edge_index[0]
    dst = edge_index[1]
    msg = weights * jnp.tanh(values[src])           # gather over src (memory-bound)
    preds = jax.ops.segment_sum(msg, dst, num_segments=N)  # scatter-add over dst
    errors = values - preds
    return errors

if __name__ == "__main__":
    import jax
    _d = setup_inputs()
    print(jax.jit(kernel)(*tuple(_d.values())))

</pallas_src>

<mosaic_0001>
#map = affine_map<(d0, d1) -> (0)>
#map1 = affine_map<(d0, d1) -> (0, 0)>
module attributes {stable_mosaic.version = 14 : i64} {
  func.func @_sc_scatter(%arg0: i32, %arg1: i32, %arg2: memref<100352xf32, #tpu.memory_space<hbm>>, %arg3: memref<2x6400000xi32, #tpu.memory_space<hbm>>, %arg4: memref<6400000xf32, #tpu.memory_space<hbm>>, %arg5: memref<100352xf32, #tpu.memory_space<hbm>>, %arg6: memref<100352xf32, #tpu.memory_space<hbm>>, %arg7: memref<100352xf32, #tpu.memory_space<vmem>>, %arg8: memref<6272xf32, #tpu.memory_space<vmem>>, %arg9: memref<2048xi32, #tpu.memory_space<vmem>>, %arg10: memref<2048xi32, #tpu.memory_space<vmem>>, %arg11: memref<2048xf32, #tpu.memory_space<vmem>>, %arg12: memref<2048xf32, #tpu.memory_space<vmem>>, %arg13: memref<2048xi32, #tpu.memory_space<vmem>>, %arg14: memref<2048xi32, #tpu.memory_space<vmem>>, %arg15: memref<2048xf32, #tpu.memory_space<vmem>>, %arg16: memref<2048xf32, #tpu.memory_space<vmem>>, %arg17: memref<100352xf32, #tpu.memory_space<vmem_shared>>, %arg18: memref<!tpu.dma_semaphore, #tpu.memory_space<semaphore_mem>>, %arg19: memref<!tpu.dma_semaphore, #tpu.memory_space<semaphore_mem>>, %arg20: memref<!tpu.dma_semaphore, #tpu.memory_space<semaphore_mem>>) attributes {dimension_semantics = [#tpu.dimension_semantics<core_parallel>, #tpu.dimension_semantics<subcore_parallel>], iteration_bounds = array<i64: 2, 16>, scalar_prefetch = 0 : i64, scratch_operands = 14 : i64, tpu.core_type = #tpu.core_type<sc_vector_subcore>, window_params = [{transform_indices = #map}, {transform_indices = #map1}, {transform_indices = #map}, {transform_indices = #map}, {transform_indices = #map}]} {
    %mul3A = arith.constant 2 : i32
    %mul3A_0 = arith.muli %arg1, %mul3A : i32
    %add3A = arith.addi %mul3A_0, %arg0 : i32
    %scan3A = arith.constant 0 : i32
    %scan3A_1 = arith.constant 0 : i32
    %scan3A_2 = arith.constant 392 : i32
    %scan3A_3 = arith.addi %scan3A_1, %scan3A_2 : i32
    %scan3A_4 = arith.constant 1 : i32
    scf.for %scan3A_65 = %scan3A_1 to %scan3A_3 step %scan3A_4  : i32 {
      %broadcast_in_dim3A = arith.constant 0.000000e+00 : f32
      %broadcast_in_dim3A_66 = vector.broadcast %broadcast_in_dim3A : f32 to vector<16xf32>
      %mul3A_67 = arith.constant 16 : i32
      %mul3A_68 = arith.muli %scan3A_65, %mul3A_67 : i32
      %swap3A = arith.index_cast %mul3A_68 : i32 to index
      %swap3A_69 = tpu.vector_load %arg8[%swap3A] {strides = array<i32>} : memref<6272xf32, #tpu.memory_space<vmem>>, vector<16xf32>,
      tpu.vector_store %arg8[%swap3A], %broadcast_in_dim3A_66 {strides = array<i32>} : memref<6272xf32, #tpu.memory_space<vmem>>, vector<16xf32>,
    }
    %scan3A_5 = arith.constant 392 : i32
    %mul3A_6 = arith.constant 6272 : i32
    %mul3A_7 = arith.muli %arg1, %mul3A_6 : i32
    "tpu.region"() ({
      %run_scoped3A = tpu.sem_alloc : memref<!tpu.dma_semaphore, #tpu.memory_space<semaphore_mem>>
      %dma_start3A_65 = tpu.memref_slice %arg17[%mul3A_7] : memref<100352xf32, #tpu.memory_space<vmem_shared>> -> memref<6272xf32, #tpu.memory_space<vmem_shared>>
      %dma_start3A_66 = tpu.memref_slice %arg17[%mul3A_7] : memref<100352xf32, #tpu.memory_space<vmem_shared>> -> memref<6272xf32, #tpu.memory_space<vmem_shared>>
      tpu.enqueue_dma source(%arg8 : memref<6272xf32, #tpu.memory_space<vmem>>) target(%dma_start3A_66 : memref<6272xf32, #tpu.memory_space<vmem_shared>>) target_semaphore(%run_scoped3A : memref<!tpu.dma_semaphore, #tpu.memory_space<semaphore_mem>>)
      %dma_wait3A_67 = tpu.memref_slice %arg17[%mul3A_7] : memref<100352xf32, #tpu.memory_space<vmem_shared>> -> memref<6272xf32, #tpu.memory_space<vmem_shared>>
      %dma_wait3A_68 = tpu.memref_slice %arg17[%mul3A_7] : memref<100352xf32, #tpu.memory_space<vmem_shared>> -> memref<6272xf32, #tpu.memory_space<vmem_shared>>
      tpu.wait_dma2 semaphore(%run_scoped3A : memref<!tpu.dma_semaphore, #tpu.memory_space<semaphore_mem>>) src(%arg8 : memref<6272xf32, #tpu.memory_space<vmem>>) dst(%dma_wait3A_68 : memref<6272xf32, #tpu.memory_space<vmem_shared>>)
      tpu.yield
    }) : () -> ()
    "tpu.region"() ({
      %run_scoped3A = tpu.sem_alloc : memref<!tpu.dma_semaphore, #tpu.memory_space<semaphore_mem>>
      tpu.enqueue_dma source(%arg2 : memref<100352xf32, #tpu.memory_space<hbm>>) target(%arg7 : memref<100352xf32, #tpu.memory_space<vmem>>) target_semaphore(%run_scoped3A : memref<!tpu.dma_semaphore, #tpu.memory_space<semaphore_mem>>)
      tpu.wait_dma2 semaphore(%run_scoped3A : memref<!tpu.dma_semaphore, #tpu.memory_space<semaphore_mem>>) src(%arg2 : memref<100352xf32, #tpu.memory_space<hbm>>) dst(%arg7 : memref<100352xf32, #tpu.memory_space<vmem>>)
      tpu.yield
    }) : () -> ()
    %barrier3A = arith.constant 0 : index
    tpu.barrier barrier_id(%barrier3A)
    %mul3A_8 = arith.constant 97 : i32
    %mul3A_9 = arith.muli %add3A, %mul3A_8 : i32
    %mul3A_10 = arith.constant 2048 : i32
    %mul3A_11 = arith.muli %mul3A_9, %mul3A_10 : i32
    %dma_start3A = arith.constant 0 : i32
    %dma_start3A_12 = tpu.memref_slice %arg3[%dma_start3A, %mul3A_11] : memref<2x6400000xi32, #tpu.memory_space<hbm>> -> memref<1x2048xi32, #tpu.memory_space<hbm>>
    %dma_start3A_13 = tpu.memref_squeeze %dma_start3A_12 : memref<1x2048xi32, #tpu.memory_space<hbm>> -> memref<2048xi32, #tpu.memory_space<hbm>>
    %dma_start3A_14 = tpu.memref_slice %arg3[%dma_start3A, %mul3A_11] : memref<2x6400000xi32, #tpu.memory_space<hbm>> -> memref<1x2048xi32, #tpu.memory_space<hbm>>
    %dma_start3A_15 = tpu.memref_squeeze %dma_start3A_14 : memref<1x2048xi32, #tpu.memory_space<hbm>> -> memref<2048xi32, #tpu.memory_space<hbm>>
    tpu.enqueue_dma source(%dma_start3A_15 : memref<2048xi32, #tpu.memory_space<hbm>>) target(%arg9 : memref<2048xi32, #tpu.memory_space<vmem>>) target_semaphore(%arg18 : memref<!tpu.dma_semaphore, #tpu.memory_space<semaphore_mem>>)
    %dma_start3A_16 = arith.constant 1 : i32
    %dma_start3A_17 = tpu.memref_slice %arg3[%dma_start3A_16, %mul3A_11] : memref<2x6400000xi32, #tpu.memory_space<hbm>> -> memref<1x2048xi32, #tpu.memory_space<hbm>>
    %dma_start3A_18 = tpu.memref_squeeze %dma_start3A_17 : memref<1x2048xi32, #tpu.memory_space<hbm>> -> memref<2048xi32, #tpu.memory_space<hbm>>
    %dma_start3A_19 = tpu.memref_slice %arg3[%dma_start3A_16, %mul3A_11] : memref<2x6400000xi32, #tpu.memory_space<hbm>> -> memref<1x2048xi32, #tpu.memory_space<hbm>>
    %dma_start3A_20 = tpu.memref_squeeze %dma_start3A_19 : memref<1x2048xi32, #tpu.memory_space<hbm>> -> memref<2048xi32, #tpu.memory_space<hbm>>
    tpu.enqueue_dma source(%dma_start3A_20 : memref<2048xi32, #tpu.memory_space<hbm>>) target(%arg10 : memref<2048xi32, #tpu.memory_space<vmem>>) target_semaphore(%arg18 : memref<!tpu.dma_semaphore, #tpu.memory_space<semaphore_mem>>)
    %dma_start3A_21 = tpu.memref_slice %arg4[%mul3A_11] : memref<6400000xf32, #tpu.memory_space<hbm>> -> memref<2048xf32, #tpu.memory_space<hbm>>
    %dma_start3A_22 = tpu.memref_slice %arg4[%mul3A_11] : memref<6400000xf32, #tpu.memory_space<hbm>> -> memref<2048xf32, #tpu.memory_space<hbm>>
    tpu.enqueue_dma source(%dma_start3A_22 : memref<2048xf32, #tpu.memory_space<hbm>>) target(%arg11 : memref<2048xf32, #tpu.memory_space<vmem>>) target_semaphore(%arg18 : memref<!tpu.dma_semaphore, #tpu.memory_space<semaphore_mem>>)
    %scan3A_23 = arith.constant 0 : i32
    %scan3A_24 = arith.constant 48 : i32
    %scan3A_25 = arith.addi %scan3A_23, %scan3A_24 : i32
    %scan3A_26 = arith.constant 1 : i32
    scf.for %scan3A_65 = %scan3A_23 to %scan3A_25 step %scan3A_26  : i32 {
      %mul3A_66 = arith.constant 2 : i32
      %mul3A_67 = arith.muli %scan3A_65, %mul3A_66 : i32
      %add3A_68 = arith.constant 0 : i32
      %add3A_69 = arith.addi %add3A_68, %mul3A_67 : i32
      %add3A_70 = arith.addi %mul3A_9, %add3A_69 : i32
      %add3A_71 = arith.constant 0 : i32
      %add3A_72 = arith.addi %add3A_70, %add3A_71 : i32
      %dma_wait3A_73 = arith.constant 0 : i32
      %dma_wait3A_74 = arith.constant 0 : i32
      %dma_wait3A_75 = tpu.memref_slice %arg3[%dma_wait3A_73, %dma_wait3A_74] : memref<2x6400000xi32, #tpu.memory_space<hbm>> -> memref<1x2048xi32, #tpu.memory_space<hbm>>
      %dma_wait3A_76 = tpu.memref_squeeze %dma_wait3A_75 : memref<1x2048xi32, #tpu.memory_space<hbm>> -> memref<2048xi32, #tpu.memory_space<hbm>>
      %dma_wait3A_77 = arith.constant 0 : i32
      %dma_wait3A_78 = tpu.memref_slice %arg3[%dma_wait3A_73, %dma_wait3A_77] : memref<2x6400000xi32, #tpu.memory_space<hbm>> -> memref<1x2048xi32, #tpu.memory_space<hbm>>
      %dma_wait3A_79 = tpu.memref_squeeze %dma_wait3A_78 : memref<1x2048xi32, #tpu.memory_space<hbm>> -> memref<2048xi32, #tpu.memory_space<hbm>>
      tpu.wait_dma2 semaphore(%arg18 : memref<!tpu.dma_semaphore, #tpu.memory_space<semaphore_mem>>) src(%dma_wait3A_79 : memref<2048xi32, #tpu.memory_space<hbm>>) dst(%arg9 : memref<2048xi32, #tpu.memory_space<vmem>>)
      %dma_wait3A_80 = arith.constant 1 : i32
      %dma_wait3A_81 = arith.constant 0 : i32
      %dma_wait3A_82 = tpu.memref_slice %arg3[%dma_wait3A_80, %dma_wait3A_81] : memref<2x6400000xi32, #tpu.memory_space<hbm>> -> memref<1x2048xi32, #tpu.memory_space<hbm>>
      %dma_wait3A_83 = tpu.memref_squeeze %dma_wait3A_82 : memref<1x2048xi32, #tpu.memory_space<hbm>> -> memref<2048xi32, #tpu.memory_space<hbm>>
      %dma_wait3A_84 = arith.constant 0 : i32
      %dma_wait3A_85 = tpu.memref_slice %arg3[%dma_wait3A_80, %dma_wait3A_84] : memref<2x6400000xi32, #tpu.memory_space<hbm>> -> memref<1x2048xi32, #tpu.memory_space<hbm>>
      %dma_wait3A_86 = tpu.memref_squeeze %dma_wait3A_85 : memref<1x2048xi32, #tpu.memory_space<hbm>> -> memref<2048xi32, #tpu.memory_space<hbm>>
      tpu.wait_dma2 semaphore(%arg18 : memref<!tpu.dma_semaphore, #tpu.memory_space<semaphore_mem>>) src(%dma_wait3A_86 : memref<2048xi32, #tpu.memory_space<hbm>>) dst(%arg10 : memref<2048xi32, #tpu.memory_space<vmem>>)
      %dma_wait3A_87 = arith.constant 0 : i32
      %dma_wait3A_88 = tpu.memref_slice %arg4[%dma_wait3A_87] : memref<6400000xf32, #tpu.memory_space<hbm>> -> memref<2048xf32, #tpu.memory_space<hbm>>
      %dma_wait3A_89 = arith.constant 0 : i32
      %dma_wait3A_90 = tpu.memref_slice %arg4[%dma_wait3A_89] : memref<6400000xf32, #tpu.memory_space<hbm>> -> memref<2048xf32, #tpu.memory_space<hbm>>
      tpu.wait_dma2 semaphore(%arg18 : memref<!tpu.dma_semaphore, #tpu.memory_space<semaphore_mem>>) src(%dma_wait3A_90 : memref<2048xf32, #tpu.memory_space<hbm>>) dst(%arg11 : memref<2048xf32, #tpu.memory_space<vmem>>)
      %parallel_loop3A_91 = arith.constant 0 : i32
      %parallel_loop3A_92 = arith.constant 2048 : i32
      %parallel_loop3A_93 = arith.constant 16 : i32
      scf.for %parallel_loop3A_158 = %parallel_loop3A_91 to %parallel_loop3A_92 step %parallel_loop3A_93  : i32 {
        %parallel_loop3A_159 = arith.index_cast %parallel_loop3A_158 : i32 to index
        %parallel_loop3A_160 = tpu.vector_load %arg9[%parallel_loop3A_159] {strides = array<i32>} : memref<2048xi32, #tpu.memory_space<vmem>>, vector<16xi32>,
        %parallel_loop3A_161 = tpu.vector_load_idx %arg7[%parallel_loop3A_160] : memref<100352xf32, #tpu.memory_space<vmem>>[vector<16xi32>], vector<16xf32>,
        %parallel_loop3A_162 = arith.index_cast %parallel_loop3A_158 : i32 to index
        %parallel_loop3A_163 = tpu.vector_load %arg11[%parallel_loop3A_162] {strides = array<i32>} : memref<2048xf32, #tpu.memory_space<vmem>>, vector<16xf32>,
        %parallel_loop3A_164 = arith.mulf %parallel_loop3A_161, %parallel_loop3A_163 : vector<16xf32>
        %parallel_loop3A_165 = arith.index_cast %parallel_loop3A_158 : i32 to index
        %parallel_loop3A_166 = tpu.vector_load %arg12[%parallel_loop3A_165] {strides = array<i32>} : memref<2048xf32, #tpu.memory_space<vmem>>, vector<16xf32>,
        tpu.vector_store %arg12[%parallel_loop3A_165], %parallel_loop3A_164 {strides = array<i32>} : memref<2048xf32, #tpu.memory_space<vmem>>, vector<16xf32>,
      } {sc.loop_unroll_factor = 4 : i64, sc.parallel_access}
      %dma_start3A_94 = arith.constant 0 : i32
      %dma_start3A_95 = tpu.memref_slice %arg17[%dma_start3A_94] : memref<100352xf32, #tpu.memory_space<vmem_shared>> -> memref<100352xf32, #tpu.memory_space<vmem_shared>>
      tpu.enqueue_indirect_dma source(%arg12 : memref<2048xf32, #tpu.memory_space<vmem>>) target(%dma_start3A_95 : memref<100352xf32, #tpu.memory_space<vmem_shared>>) offsets(%arg10 : memref<2048xi32, #tpu.memory_space<vmem>>) semaphore(%arg20 : memref<!tpu.dma_semaphore, #tpu.memory_space<semaphore_mem>>) {add = true}
      %add3A_96 = arith.constant 1 : i32
      %add3A_97 = arith.addi %add3A_72, %add3A_96 : i32
      %mul3A_98 = arith.constant 2048 : i32
      %mul3A_99 = arith.muli %add3A_97, %mul3A_98 : i32
      %dma_start3A_100 = arith.constant 0 : i32
      %dma_start3A_101 = tpu.memref_slice %arg3[%dma_start3A_100, %mul3A_99] : memref<2x6400000xi32, #tpu.memory_space<hbm>> -> memref<1x2048xi32, #tpu.memory_space<hbm>>
      %dma_start3A_102 = tpu.memref_squeeze %dma_start3A_101 : memref<1x2048xi32, #tpu.memory_space<hbm>> -> memref<2048xi32, #tpu.memory_space<hbm>>
      %dma_start3A_103 = tpu.memref_slice %arg3[%dma_start3A_100, %mul3A_99] : memref<2x6400000xi32, #tpu.memory_space<hbm>> -> memref<1x2048xi32, #tpu.memory_space<hbm>>
      %dma_start3A_104 = tpu.memref_squeeze %dma_start3A_103 : memref<1x2048xi32, #tpu.memory_space<hbm>> -> memref<2048xi32, #tpu.memory_space<hbm>>
      tpu.enqueue_dma source(%dma_start3A_104 : memref<2048xi32, #tpu.memory_space<hbm>>) target(%arg13 : memref<2048xi32, #tpu.memory_space<vmem>>) target_semaphore(%arg19 : memref<!tpu.dma_semaphore, #tpu.memory_space<semaphore_mem>>)
      %dma_start3A_105 = arith.constant 1 : i32
      %dma_start3A_106 = tpu.memref_slice %arg3[%dma_start3A_105, %mul3A_99] : memref<2x6400000xi32, #tpu.memory_space<hbm>> -> memref<1x2048xi32, #tpu.memory_space<hbm>>
      %dma_start3A_107 = tpu.memref_squeeze %dma_start3A_106 : memref<1x2048xi32, #tpu.memory_space<hbm>> -> memref<2048xi32, #tpu.memory_space<hbm>>
      %dma_start3A_108 = tpu.memref_slice %arg3[%dma_start3A_105, %mul3A_99] : memref<2x6400000xi32, #tpu.memory_space<hbm>> -> memref<1x2048xi32, #tpu.memory_space<hbm>>
      %dma_start3A_109 = tpu.memref_squeeze %dma_start3A_108 : memref<1x2048xi32, #tpu.memory_space<hbm>> -> memref<2048xi32, #tpu.memory_space<hbm>>
      tpu.enqueue_dma source(%dma_start3A_109 : memref<2048xi32, #tpu.memory_space<hbm>>) target(%arg14 : memref<2048xi32, #tpu.memory_space<vmem>>) target_semaphore(%arg19 : memref<!tpu.dma_semaphore, #tpu.memory_space<semaphore_mem>>)
      %dma_start3A_110 = tpu.memref_slice %arg4[%mul3A_99] : memref<6400000xf32, #tpu.memory_space<hbm>> -> memref<2048xf32, #tpu.memory_space<hbm>>
      %dma_start3A_111 = tpu.memref_slice %arg4[%mul3A_99] : memref<6400000xf32, #tpu.memory_space<hbm>> -> memref<2048xf32, #tpu.memory_space<hbm>>
      tpu.enqueue_dma source(%dma_start3A_111 : memref<2048xf32, #tpu.memory_space<hbm>>) target(%arg15 : memref<2048xf32, #tpu.memory_space<vmem>>) target_semaphore(%arg19 : memref<!tpu.dma_semaphore, #tpu.memory_space<semaphore_mem>>)
      %dma_wait3A_112 = arith.constant 0 : i32
      %dma_wait3A_113 = tpu.memref_slice %arg17[%dma_wait3A_112] : memref<100352xf32, #tpu.memory_space<vmem_shared>> -> memref<100352xf32, #tpu.memory_space<vmem_shared>>
      tpu.wait_indirect_dma semaphore(%arg20 : memref<!tpu.dma_semaphore, #tpu.memory_space<semaphore_mem>>) src(%arg12 : memref<2048xf32, #tpu.memory_space<vmem>>) dst(%dma_wait3A_113 : memref<100352xf32, #tpu.memory_space<vmem_shared>>)
      %add3A_114 = arith.addi %mul3A_9, %add3A_69 : i32
      %add3A_115 = arith.constant 1 : i32
      %add3A_116 = arith.addi %add3A_114, %add3A_115 : i32
      %dma_wait3A_117 = arith.constant 0 : i32
      %dma_wait3A_118 = arith.constant 0 : i32
      %dma_wait3A_119 = tpu.memref_slice %arg3[%dma_wait3A_117, %dma_wait3A_118] : memref<2x6400000xi32, #tpu.memory_space<hbm>> -> memref<1x2048xi32, #tpu.memory_space<hbm>>
      %dma_wait3A_120 = tpu.memref_squeeze %dma_wait3A_119 : memref<1x2048xi32, #tpu.memory_space<hbm>> -> memref<2048xi32, #tpu.memory_space<hbm>>
      %dma_wait3A_121 = arith.constant 0 : i32
      %dma_wait3A_122 = tpu.memref_slice %arg3[%dma_wait3A_117, %dma_wait3A_121] : memref<2x6400000xi32, #tpu.memory_space<hbm>> -> memref<1x2048xi32, #tpu.memory_space<hbm>>
      %dma_wait3A_123 = tpu.memref_squeeze %dma_wait3A_122 : memref<1x2048xi32, #tpu.memory_space<hbm>> -> memref<2048xi32, #tpu.memory_space<hbm>>
      tpu.wait_dma2 semaphore(%arg19 : memref<!tpu.dma_semaphore, #tpu.memory_space<semaphore_mem>>) src(%dma_wait3A_123 : memref<2048xi32, #tpu.memory_space<hbm>>) dst(%arg13 : memref<2048xi32, #tpu.memory_space<vmem>>)
      %dma_wait3A_124 = arith.constant 1 : i32
      %dma_wait3A_125 = arith.constant 0 : i32
      %dma_wait3A_126 = tpu.memref_slice %arg3[%dma_wait3A_124, %dma_wait3A_125] : memref<2x6400000xi32, #tpu.memory_space<hbm>> -> memref<1x2048xi32, #tpu.memory_space<hbm>>
      %dma_wait3A_127 = tpu.memref_squeeze %dma_wait3A_126 : memref<1x2048xi32, #tpu.memory_space<hbm>> -> memref<2048xi32, #tpu.memory_space<hbm>>
      %dma_wait3A_128 = arith.constant 0 : i32
      %dma_wait3A_129 = tpu.memref_slice %arg3[%dma_wait3A_124, %dma_wait3A_128] : memref<2x6400000xi32, #tpu.memory_space<hbm>> -> memref<1x2048xi32, #tpu.memory_space<hbm>>
      %dma_wait3A_130 = tpu.memref_squeeze %dma_wait3A_129 : memref<1x2048xi32, #tpu.memory_space<hbm>> -> memref<2048xi32, #tpu.memory_space<hbm>>
      tpu.wait_dma2 semaphore(%arg19 : memref<!tpu.dma_semaphore, #tpu.memory_space<semaphore_mem>>) src(%dma_wait3A_130 : memref<2048xi32, #tpu.memory_space<hbm>>) dst(%arg14 : memref<2048xi32, #tpu.memory_space<vmem>>)
      %dma_wait3A_131 = arith.constant 0 : i32
      %dma_wait3A_132 = tpu.memref_slice %arg4[%dma_wait3A_131] : memref<6400000xf32, #tpu.memory_space<hbm>> -> memref<2048xf32, #tpu.memory_space<hbm>>
      %dma_wait3A_133 = arith.constant 0 : i32
      %dma_wait3A_134 = tpu.memref_slice %arg4[%dma_wait3A_133] : memref<6400000xf32, #tpu.memory_space<hbm>> -> memref<2048xf32, #tpu.memory_space<hbm>>
      tpu.wait_dma2 semaphore(%arg19 : memref<!tpu.dma_semaphore, #tpu.memory_space<semaphore_mem>>) src(%dma_wait3A_134 : memref<2048xf32, #tpu.memory_space<hbm>>) dst(%arg15 : memref<2048xf32, #tpu.memory_space<vmem>>)
      %parallel_loop3A_135 = arith.constant 0 : i32
      %parallel_loop3A_136 = arith.constant 2048 : i32
      %parallel_loop3A_137 = arith.constant 16 : i32
      scf.for %parallel_loop3A_158 = %parallel_loop3A_135 to %parallel_loop3A_136 step %parallel_loop3A_137  : i32 {
        %parallel_loop3A_159 = arith.index_cast %parallel_loop3A_158 : i32 to index
        %parallel_loop3A_160 = tpu.vector_load %arg13[%parallel_loop3A_159] {strides = array<i32>} : memref<2048xi32, #tpu.memory_space<vmem>>, vector<16xi32>,
        %parallel_loop3A_161 = tpu.vector_load_idx %arg7[%parallel_loop3A_160] : memref<100352xf32, #tpu.memory_space<vmem>>[vector<16xi32>], vector<16xf32>,
        %parallel_loop3A_162 = arith.index_cast %parallel_loop3A_158 : i32 to index
        %parallel_loop3A_163 = tpu.vector_load %arg15[%parallel_loop3A_162] {strides = array<i32>} : memref<2048xf32, #tpu.memory_space<vmem>>, vector<16xf32>,
        %parallel_loop3A_164 = arith.mulf %parallel_loop3A_161, %parallel_loop3A_163 : vector<16xf32>
        %parallel_loop3A_165 = arith.index_cast %parallel_loop3A_158 : i32 to index
        %parallel_loop3A_166 = tpu.vector_load %arg16[%parallel_loop3A_165] {strides = array<i32>} : memref<2048xf32, #tpu.memory_space<vmem>>, vector<16xf32>,
        tpu.vector_store %arg16[%parallel_loop3A_165], %parallel_loop3A_164 {strides = array<i32>} : memref<2048xf32, #tpu.memory_space<vmem>>, vector<16xf32>,
      } {sc.loop_unroll_factor = 4 : i64, sc.parallel_access}
      %dma_start3A_138 = arith.constant 0 : i32
      %dma_start3A_139 = tpu.memref_slice %arg17[%dma_start3A_138] : memref<100352xf32, #tpu.memory_space<vmem_shared>> -> memref<100352xf32, #tpu.memory_space<vmem_shared>>
      tpu.enqueue_indirect_dma source(%arg16 : memref<2048xf32, #tpu.memory_space<vmem>>) target(%dma_start3A_139 : memref<100352xf32, #tpu.memory_space<vmem_shared>>) offsets(%arg14 : memref<2048xi32, #tpu.memory_space<vmem>>) semaphore(%arg20 : memref<!tpu.dma_semaphore, #tpu.memory_space<semaphore_mem>>) {add = true}
      %add3A_140 = arith.constant 1 : i32
      %add3A_141 = arith.addi %add3A_116, %add3A_140 : i32
      %mul3A_142 = arith.constant 2048 : i32
      %mul3A_143 = arith.muli %add3A_141, %mul3A_142 : i32
      %dma_start3A_144 = arith.constant 0 : i32
      %dma_start3A_145 = tpu.memref_slice %arg3[%dma_start3A_144, %mul3A_143] : memref<2x6400000xi32, #tpu.memory_space<hbm>> -> memref<1x2048xi32, #tpu.memory_space<hbm>>
      %dma_start3A_146 = tpu.memref_squeeze %dma_start3A_145 : memref<1x2048xi32, #tpu.memory_space<hbm>> -> memref<2048xi32, #tpu.memory_space<hbm>>
      %dma_start3A_147 = tpu.memref_slice %arg3[%dma_start3A_144, %mul3A_143] : memref<2x6400000xi32, #tpu.memory_space<hbm>> -> memref<1x2048xi32, #tpu.memory_space<hbm>>
      %dma_start3A_148 = tpu.memref_squeeze %dma_start3A_147 : memref<1x2048xi32, #tpu.memory_space<hbm>> -> memref<2048xi32, #tpu.memory_space<hbm>>
      tpu.enqueue_dma source(%dma_start3A_148 : memref<2048xi32, #tpu.memory_space<hbm>>) target(%arg9 : memref<2048xi32, #tpu.memory_space<vmem>>) target_semaphore(%arg18 : memref<!tpu.dma_semaphore, #tpu.memory_space<semaphore_mem>>)
      %dma_start3A_149 = arith.constant 1 : i32
      %dma_start3A_150 = tpu.memref_slice %arg3[%dma_start3A_149, %mul3A_143] : memref<2x6400000xi32, #tpu.memory_space<hbm>> -> memref<1x2048xi32, #tpu.memory_space<hbm>>
      %dma_start3A_151 = tpu.memref_squeeze %dma_start3A_150 : memref<1x2048xi32, #tpu.memory_space<hbm>> -> memref<2048xi32, #tpu.memory_space<hbm>>
      %dma_start3A_152 = tpu.memref_slice %arg3[%dma_start3A_149, %mul3A_143] : memref<2x6400000xi32, #tpu.memory_space<hbm>> -> memref<1x2048xi32, #tpu.memory_space<hbm>>
      %dma_start3A_153 = tpu.memref_squeeze %dma_start3A_152 : memref<1x2048xi32, #tpu.memory_space<hbm>> -> memref<2048xi32, #tpu.memory_space<hbm>>
      tpu.enqueue_dma source(%dma_start3A_153 : memref<2048xi32, #tpu.memory_space<hbm>>) target(%arg10 : memref<2048xi32, #tpu.memory_space<vmem>>) target_semaphore(%arg18 : memref<!tpu.dma_semaphore, #tpu.memory_space<semaphore_mem>>)
      %dma_start3A_154 = tpu.memref_slice %arg4[%mul3A_143] : memref<6400000xf32, #tpu.memory_space<hbm>> -> memref<2048xf32, #tpu.memory_space<hbm>>
      %dma_start3A_155 = tpu.memref_slice %arg4[%mul3A_143] : memref<6400000xf32, #tpu.memory_space<hbm>> -> memref<2048xf32, #tpu.memory_space<hbm>>
      tpu.enqueue_dma source(%dma_start3A_155 : memref<2048xf32, #tpu.memory_space<hbm>>) target(%arg11 : memref<2048xf32, #tpu.memory_space<vmem>>) target_semaphore(%arg18 : memref<!tpu.dma_semaphore, #tpu.memory_space<semaphore_mem>>)
      %dma_wait3A_156 = arith.constant 0 : i32
      %dma_wait3A_157 = tpu.memref_slice %arg17[%dma_wait3A_156] : memref<100352xf32, #tpu.memory_space<vmem_shared>> -> memref<100352xf32, #tpu.memory_space<vmem_shared>>
      tpu.wait_indirect_dma semaphore(%arg20 : memref<!tpu.dma_semaphore, #tpu.memory_space<semaphore_mem>>) src(%arg16 : memref<2048xf32, #tpu.memory_space<vmem>>) dst(%dma_wait3A_157 : memref<100352xf32, #tpu.memory_space<vmem_shared>>)
    }
    %scan3A_27 = arith.constant 48 : i32
    %dma_wait3A = arith.constant 0 : i32
    %dma_wait3A_28 = arith.constant 0 : i32
    %dma_wait3A_29 = tpu.memref_slice %arg3[%dma_wait3A, %dma_wait3A_28] : memref<2x6400000xi32, #tpu.memory_space<hbm>> -> memref<1x2048xi32, #tpu.memory_space<hbm>>
    %dma_wait3A_30 = tpu.memref_squeeze %dma_wait3A_29 : memref<1x2048xi32, #tpu.memory_space<hbm>> -> memref<2048xi32, #tpu.memory_space<hbm>>
    %dma_wait3A_31 = arith.constant 0 : i32
    %dma_wait3A_32 = tpu.memref_slice %arg3[%dma_wait3A, %dma_wait3A_31] : memref<2x6400000xi32, #tpu.memory_space<hbm>> -> memref<1x2048xi32, #tpu.memory_space<hbm>>
    %dma_wait3A_33 = tpu.memref_squeeze %dma_wait3A_32 : memref<1x2048xi32, #tpu.memory_space<hbm>> -> memref<2048xi32, #tpu.memory_space<hbm>>
    tpu.wait_dma2 semaphore(%arg18 : memref<!tpu.dma_semaphore, #tpu.memory_space<semaphore_mem>>) src(%dma_wait3A_33 : memref<2048xi32, #tpu.memory_space<hbm>>) dst(%arg9 : memref<2048xi32, #tpu.memory_space<vmem>>)
    %dma_wait3A_34 = arith.constant 1 : i32
    %dma_wait3A_35 = arith.constant 0 : i32
    %dma_wait3A_36 = tpu.memref_slice %arg3[%dma_wait3A_34, %dma_wait3A_35] : memref<2x6400000xi32, #tpu.memory_space<hbm>> -> memref<1x2048xi32, #tpu.memory_space<hbm>>
    %dma_wait3A_37 = tpu.memref_squeeze %dma_wait3A_36 : memref<1x2048xi32, #tpu.memory_space<hbm>> -> memref<2048xi32, #tpu.memory_space<hbm>>
    %dma_wait3A_38 = arith.constant 0 : i32
    %dma_wait3A_39 = tpu.memref_slice %arg3[%dma_wait3A_34, %dma_wait3A_38] : memref<2x6400000xi32, #tpu.memory_space<hbm>> -> memref<1x2048xi32, #tpu.memory_space<hbm>>
    %dma_wait3A_40 = tpu.memref_squeeze %dma_wait3A_39 : memref<1x2048xi32, #tpu.memory_space<hbm>> -> memref<2048xi32, #tpu.memory_space<hbm>>
    tpu.wait_dma2 semaphore(%arg18 : memref<!tpu.dma_semaphore, #tpu.memory_space<semaphore_mem>>) src(%dma_wait3A_40 : memref<2048xi32, #tpu.memory_space<hbm>>) dst(%arg10 : memref<2048xi32, #tpu.memory_space<vmem>>)
    %dma_wait3A_41 = arith.constant 0 : i32
    %dma_wait3A_42 = tpu.memref_slice %arg4[%dma_wait3A_41] : memref<6400000xf32, #tpu.memory_space<hbm>> -> memref<2048xf32, #tpu.memory_space<hbm>>
    %dma_wait3A_43 = arith.constant 0 : i32
    %dma_wait3A_44 = tpu.memref_slice %arg4[%dma_wait3A_43] : memref<6400000xf32, #tpu.memory_space<hbm>> -> memref<2048xf32, #tpu.memory_space<hbm>>
    tpu.wait_dma2 semaphore(%arg18 : memref<!tpu.dma_semaphore, #tpu.memory_space<semaphore_mem>>) src(%dma_wait3A_44 : memref<2048xf32, #tpu.memory_space<hbm>>) dst(%arg11 : memref<2048xf32, #tpu.memory_space<vmem>>)
    %parallel_loop3A = arith.constant 0 : i32
    %parallel_loop3A_45 = arith.constant 2048 : i32
    %parallel_loop3A_46 = arith.constant 16 : i32
    scf.for %parallel_loop3A_65 = %parallel_loop3A to %parallel_loop3A_45 step %parallel_loop3A_46  : i32 {
      %parallel_loop3A_66 = arith.index_cast %parallel_loop3A_65 : i32 to index
      %parallel_loop3A_67 = tpu.vector_load %arg9[%parallel_loop3A_66] {strides = array<i32>} : memref<2048xi32, #tpu.memory_space<vmem>>, vector<16xi32>,
      %parallel_loop3A_68 = tpu.vector_load_idx %arg7[%parallel_loop3A_67] : memref<100352xf32, #tpu.memory_space<vmem>>[vector<16xi32>], vector<16xf32>,
      %parallel_loop3A_69 = arith.index_cast %parallel_loop3A_65 : i32 to index
      %parallel_loop3A_70 = tpu.vector_load %arg11[%parallel_loop3A_69] {strides = array<i32>} : memref<2048xf32, #tpu.memory_space<vmem>>, vector<16xf32>,
      %parallel_loop3A_71 = arith.mulf %parallel_loop3A_68, %parallel_loop3A_70 : vector<16xf32>
      %parallel_loop3A_72 = arith.index_cast %parallel_loop3A_65 : i32 to index
      %parallel_loop3A_73 = tpu.vector_load %arg12[%parallel_loop3A_72] {strides = array<i32>} : memref<2048xf32, #tpu.memory_space<vmem>>, vector<16xf32>,
      tpu.vector_store %arg12[%parallel_loop3A_72], %parallel_loop3A_71 {strides = array<i32>} : memref<2048xf32, #tpu.memory_space<vmem>>, vector<16xf32>,
    } {sc.loop_unroll_factor = 4 : i64, sc.parallel_access}
    %dma_start3A_47 = arith.constant 0 : i32
    %dma_start3A_48 = tpu.memref_slice %arg17[%dma_start3A_47] : memref<100352xf32, #tpu.memory_space<vmem_shared>> -> memref<100352xf32, #tpu.memory_space<vmem_shared>>
    tpu.enqueue_indirect_dma source(%arg12 : memref<2048xf32, #tpu.memory_space<vmem>>) target(%dma_start3A_48 : memref<100352xf32, #tpu.memory_space<vmem_shared>>) offsets(%arg10 : memref<2048xi32, #tpu.memory_space<vmem>>) semaphore(%arg20 : memref<!tpu.dma_semaphore, #tpu.memory_space<semaphore_mem>>) {add = true}
    %dma_wait3A_49 = arith.constant 0 : i32
    %dma_wait3A_50 = tpu.memref_slice %arg17[%dma_wait3A_49] : memref<100352xf32, #tpu.memory_space<vmem_shared>> -> memref<100352xf32, #tpu.memory_space<vmem_shared>>
    tpu.wait_indirect_dma semaphore(%arg20 : memref<!tpu.dma_semaphore, #tpu.memory_space<semaphore_mem>>) src(%arg12 : memref<2048xf32, #tpu.memory_space<vmem>>) dst(%dma_wait3A_50 : memref<100352xf32, #tpu.memory_space<vmem_shared>>)
    %lt3A = arith.constant 21 : i32
    %lt3A_51 = arith.cmpi slt, %add3A, %lt3A : i32
    %convert_element_type3A = arith.extui %lt3A_51 : i1 to i32
    %cond3A = arith.constant 0 : i32
    %cond3A_52 = arith.cmpi ne, %convert_element_type3A, %cond3A : i32
    scf.if %cond3A_52 {
      %add3A_65 = arith.constant 3104 : i32
      %add3A_66 = arith.addi %add3A_65, %add3A : i32
      %mul3A_67 = arith.constant 2048 : i32
      %mul3A_68 = arith.muli %add3A_66, %mul3A_67 : i32
      %run_scoped3A = arith.constant 0 : i32
      "tpu.region"() ({
        %run_scoped3A_77 = tpu.sem_alloc : memref<!tpu.dma_semaphore, #tpu.memory_space<semaphore_mem>>
        %dma_start3A_78 = tpu.memref_slice %arg3[%run_scoped3A, %mul3A_68] : memref<2x6400000xi32, #tpu.memory_space<hbm>> -> memref<1x2048xi32, #tpu.memory_space<hbm>>
        %dma_start3A_79 = tpu.memref_squeeze %dma_start3A_78 : memref<1x2048xi32, #tpu.memory_space<hbm>> -> memref<2048xi32, #tpu.memory_space<hbm>>
        %dma_start3A_80 = tpu.memref_slice %arg3[%run_scoped3A, %mul3A_68] : memref<2x6400000xi32, #tpu.memory_space<hbm>> -> memref<1x2048xi32, #tpu.memory_space<hbm>>
        %dma_start3A_81 = tpu.memref_squeeze %dma_start3A_80 : memref<1x2048xi32, #tpu.memory_space<hbm>> -> memref<2048xi32, #tpu.memory_space<hbm>>
        tpu.enqueue_dma source(%dma_start3A_81 : memref<2048xi32, #tpu.memory_space<hbm>>) target(%arg9 : memref<2048xi32, #tpu.memory_space<vmem>>) target_semaphore(%run_scoped3A_77 : memref<!tpu.dma_semaphore, #tpu.memory_space<semaphore_mem>>)
        %dma_wait3A_82 = tpu.memref_slice %arg3[%run_scoped3A, %mul3A_68] : memref<2x6400000xi32, #tpu.memory_space<hbm>> -> memref<1x2048xi32, #tpu.memory_space<hbm>>
        %dma_wait3A_83 = tpu.memref_squeeze %dma_wait3A_82 : memref<1x2048xi32, #tpu.memory_space<hbm>> -> memref<2048xi32, #tpu.memory_space<hbm>>
        %dma_wait3A_84 = tpu.memref_slice %arg3[%run_scoped3A, %mul3A_68] : memref<2x6400000xi32, #tpu.memory_space<hbm>> -> memref<1x2048xi32, #tpu.memory_space<hbm>>
        %dma_wait3A_85 = tpu.memref_squeeze %dma_wait3A_84 : memref<1x2048xi32, #tpu.memory_space<hbm>> -> memref<2048xi32, #tpu.memory_space<hbm>>
        tpu.wait_dma2 semaphore(%run_scoped3A_77 : memref<!tpu.dma_semaphore, #tpu.memory_space<semaphore_mem>>) src(%dma_wait3A_85 : memref<2048xi32, #tpu.memory_space<hbm>>) dst(%arg9 : memref<2048xi32, #tpu.memory_space<vmem>>)
        tpu.yield
      }) : () -> ()
      %run_scoped3A_69 = arith.constant 1 : i32
      "tpu.region"() ({
        %run_scoped3A_77 = tpu.sem_alloc : memref<!tpu.dma_semaphore, #tpu.memory_space<semaphore_mem>>
        %dma_start3A_78 = tpu.memref_slice %arg3[%run_scoped3A_69, %mul3A_68] : memref<2x6400000xi32, #tpu.memory_space<hbm>> -> memref<1x2048xi32, #tpu.memory_space<hbm>>
        %dma_start3A_79 = tpu.memref_squeeze %dma_start3A_78 : memref<1x2048xi32, #tpu.memory_space<hbm>> -> memref<2048xi32, #tpu.memory_space<hbm>>
        %dma_start3A_80 = tpu.memref_slice %arg3[%run_scoped3A_69, %mul3A_68] : memref<2x6400000xi32, #tpu.memory_space<hbm>> -> memref<1x2048xi32, #tpu.memory_space<hbm>>
        %dma_start3A_81 = tpu.memref_squeeze %dma_start3A_80 : memref<1x2048xi32, #tpu.memory_space<hbm>> -> memref<2048xi32, #tpu.memory_space<hbm>>
        tpu.enqueue_dma source(%dma_start3A_81 : memref<2048xi32, #tpu.memory_space<hbm>>) target(%arg10 : memref<2048xi32, #tpu.memory_space<vmem>>) target_semaphore(%run_scoped3A_77 : memref<!tpu.dma_semaphore, #tpu.memory_space<semaphore_mem>>)
        %dma_wait3A_82 = tpu.memref_slice %arg3[%run_scoped3A_69, %mul3A_68] : memref<2x6400000xi32, #tpu.memory_space<hbm>> -> memref<1x2048xi32, #tpu.memory_space<hbm>>
        %dma_wait3A_83 = tpu.memref_squeeze %dma_wait3A_82 : memref<1x2048xi32, #tpu.memory_space<hbm>> -> memref<2048xi32, #tpu.memory_space<hbm>>
        %dma_wait3A_84 = tpu.memref_slice %arg3[%run_scoped3A_69, %mul3A_68] : memref<2x6400000xi32, #tpu.memory_space<hbm>> -> memref<1x2048xi32, #tpu.memory_space<hbm>>
        %dma_wait3A_85 = tpu.memref_squeeze %dma_wait3A_84 : memref<1x2048xi32, #tpu.memory_space<hbm>> -> memref<2048xi32, #tpu.memory_space<hbm>>
        tpu.wait_dma2 semaphore(%run_scoped3A_77 : memref<!tpu.dma_semaphore, #tpu.memory_space<semaphore_mem>>) src(%dma_wait3A_85 : memref<2048xi32, #tpu.memory_space<hbm>>) dst(%arg10 : memref<2048xi32, #tpu.memory_space<vmem>>)
        tpu.yield
      }) : () -> ()
      "tpu.region"() ({
        %run_scoped3A_77 = tpu.sem_alloc : memref<!tpu.dma_semaphore, #tpu.memory_space<semaphore_mem>>
        %dma_start3A_78 = tpu.memref_slice %arg4[%mul3A_68] : memref<6400000xf32, #tpu.memory_space<hbm>> -> memref<2048xf32, #tpu.memory_space<hbm>>
        %dma_start3A_79 = tpu.memref_slice %arg4[%mul3A_68] : memref<6400000xf32, #tpu.memory_space<hbm>> -> memref<2048xf32, #tpu.memory_space<hbm>>
        tpu.enqueue_dma source(%dma_start3A_79 : memref<2048xf32, #tpu.memory_space<hbm>>) target(%arg11 : memref<2048xf32, #tpu.memory_space<vmem>>) target_semaphore(%run_scoped3A_77 : memref<!tpu.dma_semaphore, #tpu.memory_space<semaphore_mem>>)
        %dma_wait3A_80 = tpu.memref_slice %arg4[%mul3A_68] : memref<6400000xf32, #tpu.memory_space<hbm>> -> memref<2048xf32, #tpu.memory_space<hbm>>
        %dma_wait3A_81 = tpu.memref_slice %arg4[%mul3A_68] : memref<6400000xf32, #tpu.memory_space<hbm>> -> memref<2048xf32, #tpu.memory_space<hbm>>
        tpu.wait_dma2 semaphore(%run_scoped3A_77 : memref<!tpu.dma_semaphore, #tpu.memory_space<semaphore_mem>>) src(%dma_wait3A_81 : memref<2048xf32, #tpu.memory_space<hbm>>) dst(%arg11 : memref<2048xf32, #tpu.memory_space<vmem>>)
        tpu.yield
      }) : () -> ()
      %parallel_loop3A_70 = arith.constant 0 : i32
      %parallel_loop3A_71 = arith.constant 2048 : i32
      %parallel_loop3A_72 = arith.constant 16 : i32
      scf.for %parallel_loop3A_77 = %parallel_loop3A_70 to %parallel_loop3A_71 step %parallel_loop3A_72  : i32 {
        %parallel_loop3A_78 = arith.index_cast %parallel_loop3A_77 : i32 to index
        %parallel_loop3A_79 = tpu.vector_load %arg9[%parallel_loop3A_78] {strides = array<i32>} : memref<2048xi32, #tpu.memory_space<vmem>>, vector<16xi32>,
        %parallel_loop3A_80 = tpu.vector_load_idx %arg7[%parallel_loop3A_79] : memref<100352xf32, #tpu.memory_space<vmem>>[vector<16xi32>], vector<16xf32>,
        %parallel_loop3A_81 = arith.index_cast %parallel_loop3A_77 : i32 to index
        %parallel_loop3A_82 = tpu.vector_load %arg11[%parallel_loop3A_81] {strides = array<i32>} : memref<2048xf32, #tpu.memory_space<vmem>>, vector<16xf32>,
        %parallel_loop3A_83 = arith.mulf %parallel_loop3A_80, %parallel_loop3A_82 : vector<16xf32>
        %parallel_loop3A_84 = arith.index_cast %parallel_loop3A_77 : i32 to index
        %parallel_loop3A_85 = tpu.vector_load %arg12[%parallel_loop3A_84] {strides = array<i32>} : memref<2048xf32, #tpu.memory_space<vmem>>, vector<16xf32>,
        tpu.vector_store %arg12[%parallel_loop3A_84], %parallel_loop3A_83 {strides = array<i32>} : memref<2048xf32, #tpu.memory_space<vmem>>, vector<16xf32>,
      } {sc.loop_unroll_factor = 4 : i64, sc.parallel_access}
      %dma_start3A_73 = arith.constant 0 : i32
      %dma_start3A_74 = tpu.memref_slice %arg17[%dma_start3A_73] : memref<100352xf32, #tpu.memory_space<vmem_shared>> -> memref<100352xf32, #tpu.memory_space<vmem_shared>>
      tpu.enqueue_indirect_dma source(%arg12 : memref<2048xf32, #tpu.memory_space<vmem>>) target(%dma_start3A_74 : memref<100352xf32, #tpu.memory_space<vmem_shared>>) offsets(%arg10 : memref<2048xi32, #tpu.memory_space<vmem>>) semaphore(%arg20 : memref<!tpu.dma_semaphore, #tpu.memory_space<semaphore_mem>>) {add = true}
      %dma_wait3A_75 = arith.constant 0 : i32
      %dma_wait3A_76 = tpu.memref_slice %arg17[%dma_wait3A_75] : memref<100352xf32, #tpu.memory_space<vmem_shared>> -> memref<100352xf32, #tpu.memory_space<vmem_shared>>
      tpu.wait_indirect_dma semaphore(%arg20 : memref<!tpu.dma_semaphore, #tpu.memory_space<semaphore_mem>>) src(%arg12 : memref<2048xf32, #tpu.memory_space<vmem>>) dst(%dma_wait3A_76 : memref<100352xf32, #tpu.memory_space<vmem_shared>>)
    } else {
    }
    %barrier3A_53 = arith.constant 0 : index
    tpu.barrier barrier_id(%barrier3A_53)
    %mul3A_54 = arith.constant 6272 : i32
    %mul3A_55 = arith.muli %arg1, %mul3A_54 : i32
    "tpu.region"() ({
      %run_scoped3A = tpu.sem_alloc : memref<!tpu.dma_semaphore, #tpu.memory_space<semaphore_mem>>
      %dma_start3A_65 = tpu.memref_slice %arg17[%mul3A_55] : memref<100352xf32, #tpu.memory_space<vmem_shared>> -> memref<6272xf32, #tpu.memory_space<vmem_shared>>
      %dma_start3A_66 = tpu.memref_slice %arg17[%mul3A_55] : memref<100352xf32, #tpu.memory_space<vmem_shared>> -> memref<6272xf32, #tpu.memory_space<vmem_shared>>
      tpu.enqueue_dma source(%dma_start3A_66 : memref<6272xf32, #tpu.memory_space<vmem_shared>>) target(%arg8 : memref<6272xf32, #tpu.memory_space<vmem>>) target_semaphore(%run_scoped3A : memref<!tpu.dma_semaphore, #tpu.memory_space<semaphore_mem>>)
      %dma_wait3A_67 = tpu.memref_slice %arg17[%mul3A_55] : memref<100352xf32, #tpu.memory_space<vmem_shared>> -> memref<6272xf32, #tpu.memory_space<vmem_shared>>
      %dma_wait3A_68 = tpu.memref_slice %arg17[%mul3A_55] : memref<100352xf32, #tpu.memory_space<vmem_shared>> -> memref<6272xf32, #tpu.memory_space<vmem_shared>>
      tpu.wait_dma2 semaphore(%run_scoped3A : memref<!tpu.dma_semaphore, #tpu.memory_space<semaphore_mem>>) src(%dma_wait3A_68 : memref<6272xf32, #tpu.memory_space<vmem_shared>>) dst(%arg8 : memref<6272xf32, #tpu.memory_space<vmem>>)
      tpu.yield
    }) : () -> ()
    %eq3A = arith.constant 0 : i32
    %eq3A_56 = arith.cmpi eq, %arg0, %eq3A : i32
    %convert_element_type3A_57 = arith.extui %eq3A_56 : i1 to i32
    %cond3A_58 = arith.constant 0 : i32
    %cond3A_59 = arith.cmpi ne, %convert_element_type3A_57, %cond3A_58 : i32
    scf.if %cond3A_59 {
      %mul3A_65 = arith.constant 6272 : i32
      %mul3A_66 = arith.muli %arg1, %mul3A_65 : i32
      "tpu.region"() ({
        %run_scoped3A = tpu.sem_alloc : memref<!tpu.dma_semaphore, #tpu.memory_space<semaphore_mem>>
        %dma_start3A_67 = tpu.memref_slice %arg5[%mul3A_66] : memref<100352xf32, #tpu.memory_space<hbm>> -> memref<6272xf32, #tpu.memory_space<hbm>>
        %dma_start3A_68 = tpu.memref_slice %arg5[%mul3A_66] : memref<100352xf32, #tpu.memory_space<hbm>> -> memref<6272xf32, #tpu.memory_space<hbm>>
        tpu.enqueue_dma source(%arg8 : memref<6272xf32, #tpu.memory_space<vmem>>) target(%dma_start3A_68 : memref<6272xf32, #tpu.memory_space<hbm>>) target_semaphore(%run_scoped3A : memref<!tpu.dma_semaphore, #tpu.memory_space<semaphore_mem>>)
        %dma_wait3A_69 = tpu.memref_slice %arg5[%mul3A_66] : memref<100352xf32, #tpu.memory_space<hbm>> -> memref<6272xf32, #tpu.memory_space<hbm>>
        %dma_wait3A_70 = tpu.memref_slice %arg5[%mul3A_66] : memref<100352xf32, #tpu.memory_space<hbm>> -> memref<6272xf32, #tpu.memory_space<hbm>>
        tpu.wait_dma2 semaphore(%run_scoped3A : memref<!tpu.dma_semaphore, #tpu.memory_space<semaphore_mem>>) src(%arg8 : memref<6272xf32, #tpu.memory_space<vmem>>) dst(%dma_wait3A_70 : memref<6272xf32, #tpu.memory_space<hbm>>)
        tpu.yield
      }) : () -> ()
    } else {
    }
    %eq3A_60 = arith.constant 1 : i32
    %eq3A_61 = arith.cmpi eq, %arg0, %eq3A_60 : i32
    %convert_element_type3A_62 = arith.extui %eq3A_61 : i1 to i32
    %cond3A_63 = arith.constant 0 : i32
    %cond3A_64 = arith.cmpi ne, %convert_element_type3A_62, %cond3A_63 : i32
    scf.if %cond3A_64 {
      %mul3A_65 = arith.constant 6272 : i32
      %mul3A_66 = arith.muli %arg1, %mul3A_65 : i32
      "tpu.region"() ({
        %run_scoped3A = tpu.sem_alloc : memref<!tpu.dma_semaphore, #tpu.memory_space<semaphore_mem>>
        %dma_start3A_67 = tpu.memref_slice %arg6[%mul3A_66] : memref<100352xf32, #tpu.memory_space<hbm>> -> memref<6272xf32, #tpu.memory_space<hbm>>
        %dma_start3A_68 = tpu.memref_slice %arg6[%mul3A_66] : memref<100352xf32, #tpu.memory_space<hbm>> -> memref<6272xf32, #tpu.memory_space<hbm>>
        tpu.enqueue_dma source(%arg8 : memref<6272xf32, #tpu.memory_space<vmem>>) target(%dma_start3A_68 : memref<6272xf32, #tpu.memory_space<hbm>>) target_semaphore(%run_scoped3A : memref<!tpu.dma_semaphore, #tpu.memory_space<semaphore_mem>>)
        %dma_wait3A_69 = tpu.memref_slice %arg6[%mul3A_66] : memref<100352xf32, #tpu.memory_space<hbm>> -> memref<6272xf32, #tpu.memory_space<hbm>>
        %dma_wait3A_70 = tpu.memref_slice %arg6[%mul3A_66] : memref<100352xf32, #tpu.memory_space<hbm>> -> memref<6272xf32, #tpu.memory_space<hbm>>
        tpu.wait_dma2 semaphore(%run_scoped3A : memref<!tpu.dma_semaphore, #tpu.memory_space<semaphore_mem>>) src(%arg8 : memref<6272xf32, #tpu.memory_space<vmem>>) dst(%dma_wait3A_70 : memref<6272xf32, #tpu.memory_space<hbm>>)
        tpu.yield
      }) : () -> ()
    } else {
    }
    return
  }
}

module attributes {stable_mosaic.version = 14 : i64} {
  func.func @_tanh_body(%arg0: memref<100352xf32, #tpu.memory_space<vmem>>, %arg1: memref<100352xf32, #tpu.memory_space<vmem>>) attributes {dimension_semantics = [], scalar_prefetch = 0 : i64, scratch_operands = 0 : i64, tpu.core_type = #tpu.core_type<tc>} {
    %get3A = arith.constant 0 : index
    %get3A_0 = vector.load %arg0[%get3A] : memref<100352xf32, #tpu.memory_space<vmem>>, vector<100352xf32>
    %tanh3A = math.tanh %get3A_0 : vector<100352xf32>
    %swap3A = arith.constant 0 : index
    %swap3A_1 = vector.load %arg1[%swap3A] : memref<100352xf32, #tpu.memory_space<vmem>>, vector<100352xf32>
    tpu.vector_store %arg1[%swap3A], %tanh3A {strides = array<i32>} : memref<100352xf32, #tpu.memory_space<vmem>>, vector<100352xf32>,
    return
  }
}

module attributes {stable_mosaic.version = 14 : i64} {
  func.func @_finish_body(%arg0: memref<100352xf32, #tpu.memory_space<vmem>>, %arg1: memref<100352xf32, #tpu.memory_space<vmem>>, %arg2: memref<100352xf32, #tpu.memory_space<vmem>>, %arg3: memref<100352xf32, #tpu.memory_space<vmem>>) attributes {dimension_semantics = [], scalar_prefetch = 0 : i64, scratch_operands = 0 : i64, tpu.core_type = #tpu.core_type<tc>} {
    %get3A = arith.constant 0 : index
    %get3A_0 = vector.load %arg0[%get3A] : memref<100352xf32, #tpu.memory_space<vmem>>, vector<100352xf32>
    %get3A_1 = arith.constant 0 : index
    %get3A_2 = vector.load %arg1[%get3A_1] : memref<100352xf32, #tpu.memory_space<vmem>>, vector<100352xf32>
    %sub3A = arith.subf %get3A_0, %get3A_2 : vector<100352xf32>
    %get3A_3 = arith.constant 0 : index
    %get3A_4 = vector.load %arg2[%get3A_3] : memref<100352xf32, #tpu.memory_space<vmem>>, vector<100352xf32>
    %sub3A_5 = arith.subf %sub3A, %get3A_4 : vector<100352xf32>
    %swap3A = arith.constant 0 : index
    %swap3A_6 = vector.load %arg3[%swap3A] : memref<100352xf32, #tpu.memory_space<vmem>>, vector<100352xf32>
    tpu.vector_store %arg3[%swap3A], %sub3A_5 {strides = array<i32>} : memref<100352xf32, #tpu.memory_space<vmem>>, vector<100352xf32>,
    return
  }
}

</mosaic_0001>

<sc_bundles>
// kernel: kernel.5.cloned.1.call-start
scs
__scs_entry_jumppad:
0x0: {  	(pc) =	sbr.rel $0x88, $3  }
0x1: {  	(tag) =	ssettag $0x0;
	lr =	simm.s32 $0x1  }
0x2: {  	[smem:$0x3F9E] =	sst lr;
	_ =	strace $0xD0000000  }
0x3: {  	_ = 	snop  }
0x4: {  	_ = 	snop  }
0x5: {  	_ = 	snop  }
0x6: {  	_ = 	snop  }
0x7: {  	_ = 	snop  }
__scs_overlays_trampoline_lowered:
0x8: {  	[smem:$0x3FAD] =	sst s0  }
0x9: {  	[smem:$0x3FAE] =	sst s1  }
0xa: {  	[smem:$0x3FAF] =	sst s2  }
0xb: {  	[smem:$0x3FB0] =	sst s3  }
0xc: {  	[smem:$0x3FB1] =	sst s4  }
0xd: {  	[smem:$0x3FB2] =	sst s5  }
0xe: {  	[smem:$0x3FB3] =	sst s6  }
0xf: {  	[smem:$0x3FB4] =	sst s7  }
0x10: {  	[smem:$0x3FB5] =	sst s8  }
0x11: {  	[smem:$0x3FB6] =	sst s9;
	s0 =	simm.s32 @!p0 $0x0  }
0x12: {  	s1 =	sld [smem:$0x3F9C];
	s0 =	simm.s32 @p0 $0x1  }
0x13: {  	[smem:$0x3FB7] =	sst s0;
	s0 =	simm.s32 @!p1 $0x0  }
0x14: {  	s2 =	sld [smem:$0x3F9B];
	s0 =	simm.s32 @p1 $0x1  }
0x15: {  	[smem:$0x3FB8] =	sst s0;
	s0 =	simm.s32 @!p2 $0x0  }
0x16: {  	s3 =	sld [smem:$0x3FDB];
	s0 =	simm.s32 @p2 $0x1  }
0x17: {  	s4 =	simm.s32 $0x1BF5;
	[smem:$0x3FBA] =	sst s0  }
0x18: {  	s0 =	sld [smem:$0x3F9D];
	_ =	swait.ge [sflag:s4], $0x0  }
0x19: {  	s7 =	sld [smem:$0x3F9E]  }
0x1a: {  	s8 =	sadd.s32 $0xFFFFE003, lr  }
0x1b: {  	s9 =	sadd.s32 $0xFFFFFEF7, lr;
	s5 =	simm.s32 $0xFFFFFFFF;
	p2 =	slt.u32 s8, $0xFFFFF086  }
0x1c: {  	p1 =	slt.u32 s9, $0xF7A;
	s5 =	simm.s32 @!p2 $0x0  }
0x1d: {  	s5 =	simm.s32 @p1 $0x1;
	p0 =	seq.s32 s7, s2  }
0x1e: {  	s7 =	smul.u32 @!p0 $0xF7A, s2;
	p2 =	seq.s32 @!p0 s5, $0x0  }
0x1f: {  	s9 =	smul.u32 $0xF7A, s1;
	s8 =	simm.s32 @!p0 $0x1BF5;
	p2 =	por !p2, p0  }
0x20: {  	[sflag:s8] =	ssyncset.s32 @!p0 $0xFFFFF086;
	s6 =	sadd.s32 @!p0 s3, s7;
	s7 =	simm.s32 @!p0 $0x108  }
0x21: {  	s3 =	sadd.s32 s3, s9;
	s6 =	sadd.s32 @!p0 $0x88, s6;
	s7 =	simm.s32 @p2 $0x1082  }
0x22: {  	[simem:s7], [sflag:s8] =	dma.local @!p0 [hbm:s6], $0xF7A  }
0x23: {  	s9 =	sor.u32 $0xD0000000, s2;
	s6 =	simm.s32 $0x108;
	_ =	swait.ge @!p0 [sflag:s8], $0x0  }
0x24: {  	s3 =	sadd.s32 $0x88, s3;
	s6 =	simm.s32 @!p1 $0x1082;
	[sflag:s4] =	ssyncset.s32 $0xFFFFF086  }
0x25: {  	[simem:s6], [sflag:s4] =	dma.local [hbm:s3], $0xF7A  }
0x26: {  	[smem:$0x3F9E] =	sst s1;
	(tag) =	ssettag s2;
	_ =	strace s9  }
0x27: {  	s1 =	sld [smem:$0x3FAE]  }
0x28: {  	s2 =	sld [smem:$0x3FAF]  }
0x29: {  	s4 =	sld [smem:$0x3FB1]  }
0x2a: {  	p0 =	seq.s32 s5, $0x0;
	s5 =	sld [smem:$0x3FB2]  }
0x2b: {  	s6 =	sld [smem:$0x3FB3]  }
0x2c: {  	s7 =	sld [smem:$0x3FB4]  }
0x2d: {  	s3 =	simm.s32 $0x108;
	s8 =	sld [smem:$0x3FB5]  }
0x2e: {  	s3 =	simm.s32 @!p0 $0x1082;
	s9 =	sld [smem:$0x3FB6]  }
0x2f: {  	lr =	sadd.s32 s0, s3;
	s0 =	sld [smem:$0x3FAD]  }
0x30: {  	s3 =	sld [smem:$0x3FB0]  }
0x31: {  	[smem:$0x3FB9] =	sst s10  }
0x32: {  	s10 =	sld [smem:$0x3FB7];
	_ =	sdelay $0x3  }
0x33: {  	p0 =	seq.s32 s10, $0x1;
	s10 =	sld [smem:$0x3FB9];
	_ =	sdelay $0x3  }
0x34: {  	[smem:$0x3FB9] =	sst s10  }
0x35: {  	s10 =	sld [smem:$0x3FB8];
	_ =	sdelay $0x3  }
0x36: {  	p1 =	seq.s32 s10, $0x1;
	s10 =	sld [smem:$0x3FB9];
	_ =	sdelay $0x3  }
0x37: {  	[smem:$0x3FB9] =	sst s10  }
0x38: {  	s10 =	sld [smem:$0x3FBA]  }
0x39: {  	_ = 	snop;
	(pc) =	sbr.ind lr, $3  }
0x3a: {  	_ = 	snop  }
0x3b: {  	_ = 	snop  }
0x3c: {  	p2 =	seq.s32 s10, $0x1;
	s10 =	sld [smem:$0x3FB9]  }
0x3d: {  	_ =	shalt  }
0x3e: {  	_ =	shalt  }
0x3f: {  	_ =	shalt  }
0x40: {  	_ =	shalt  }
0x41: {  	_ =	shalt  }
0x42: {  	_ =	shalt  }
0x43: {  	_ =	shalt  }
0x44: {  	_ =	shalt  }
0x45: {  	_ =	shalt  }
0x46: {  	_ =	shalt  }
0x47: {  	_ =	shalt  }
0x48: {  	_ =	shalt  }
0x49: {  	_ =	shalt  }
0x4a: {  	_ =	shalt  }
0x4b: {  	_ =	shalt  }
0x4c: {  	_ =	shalt  }
0x4d: {  	_ =	shalt  }
0x4e: {  	_ =	shalt  }
0x4f: {  	_ =	shalt  }
0x50: {  	_ =	shalt  }
0x51: {  	_ =	shalt  }
0x52: {  	_ =	shalt  }
0x53: {  	_ =	shalt  }
0x54: {  	_ =	shalt  }
0x55: {  	_ =	shalt  }
0x56: {  	_ =	shalt  }
0x57: {  	_ =	shalt  }
0x58: {  	_ =	shalt  }
0x59: {  	_ =	shalt  }
0x5a: {  	_ =	shalt  }
0x5b: {  	_ =	shalt  }
0x5c: {  	_ =	shalt  }
0x5d: {  	_ =	shalt  }
0x5e: {  	_ =	shalt  }
0x5f: {  	_ =	shalt  }
0x60: {  	_ =	shalt  }
0x61: {  	_ =	shalt  }
0x62: {  	_ =	shalt  }
0x63: {  	_ =	shalt  }
0x64: {  	_ =	shalt  }
0x65: {  	_ =	shalt  }
0x66: {  	_ =	shalt  }
0x67: {  	_ =	shalt  }
0x68: {  	_ =	shalt  }
0x69: {  	_ =	shalt  }
0x6a: {  	_ =	shalt  }
0x6b: {  	_ =	shalt  }
0x6c: {  	_ =	shalt  }
0x6d: {  	_ =	shalt  }
0x6e: {  	_ =	shalt  }
0x6f: {  	_ =	shalt  }
0x70: {  	_ =	shalt  }
0x71: {  	_ =	shalt  }
0x72: {  	_ =	shalt  }
0x73: {  	_ =	shalt  }
0x74: {  	_ =	shalt  }
0x75: {  	_ =	shalt  }
0x76: {  	_ =	shalt  }
0x77: {  	_ =	shalt  }
0x78: {  	_ =	shalt  }
0x79: {  	_ =	shalt  }
0x7a: {  	_ =	shalt  }
0x7b: {  	_ =	shalt  }
0x7c: {  	_ =	shalt  }
0x7d: {  	_ =	shalt  }
0x7e: {  	_ =	shalt  }
0x7f: {  	_ =	shalt  }
0x80: {  	_ =	shalt  }
0x81: {  	_ =	shalt  }
0x82: {  	_ =	shalt  }
0x83: {  	_ =	shalt  }
0x84: {  	_ =	shalt  }
0x85: {  	_ =	shalt  }
0x86: {  	_ =	shalt  }
0x87: {  	_ =	shalt  }
.Lfunc_end0:
.L_simem_size_0:
called_computation_lowered:
.L_overlay_start_0:
0x88: {  	s2 =	sld [smem:$0x3FD9]  }
0x89: {  	s3 =	sld [smem:$0x3FFE];
	_ =	sdelay $0x1  }
0x8a: {  	s1 =	srdreg.scid  }
0x8b: {  	s0 =	sand.u32 $0x1, s1  }
0x8c: {  	s17 =	sshll.u32 s0, $0xA;
	s2 =	sadd.s32 s3, s2  }
0x8d: {  	s2 =	sadd.s32 s2, s17  }
0x8e: {  	[smem:$0x3FC5] =	sst s2  }
0x8f: {  	_ = 	snop  }
0x90: {  	s2 =	sld [smem:$0x3FC8]  }
0x91: {  	s18 =	sld [smem:$0x3FC7]  }
0x92: {  	s4 =	sld [smem:$0x3FD0];
	(tm) =	ssettm $0x1  }
0x93: {  	s5 =	sld [smem:$0x3FFB];
	_ =	sdelay $0x3  }
0x94: {  	_ =	strace s5  }
0x95: {  	s5 =	sld [smem:$0x3FFC];
	_ =	sdelay $0x3  }
0x96: {  	_ =	strace s5  }
0x97: {  	s5 =	sld [smem:$0x3FFD];
	_ =	sdelay $0x3  }
0x98: {  	_ =	strace s5  }
0x99: {  	_ =	strace $0x8FFFFFFF  }
0x9a: {  	s19 =	sld [smem:$0x3FDB];
	_ =	sdelay $0x1  }
0x9b: {  	s6 =	simm.s32 $_scs_section_size  }
0x9c: {  	s7 =	simm.s32 $_size__tile_overlayer_lowered;
	s8 =	simm.s32 $_tile_overlayer_lowered  }
0x9d: {  	s22 =	simm.s32 $0x1BFF;
	s21 =	sshll.u32 s8, $0x1;
	s5 =	sadd.s32 s6, s19  }
0x9e: {  	s9 =	simm.s32 $0x0;
	s20 =	sshll.u32 s7, $0x1;
	s7 =	sadd.s32 s21, s5  }
0x9f: {  	[timem:s9], [sflag:s22] =	dma.local [hbm:s7], s20  }
0xa0: {  	_ =	swait.ge [sflag:s22], s20  }
0xa1: {  	s6 =	ssub.s32 $0x0, s20;
	[sflag:s22] =	ssyncset.done $0x0  }
0xa2: {  	[sflag:s22] =	ssyncadd.s32 s6;
	_ =	sdelay $0x1  }
0xa3: {  	s23 =	simm.s32 $0x1B8B  }
0xa4: {  	_ =	swait.ge [sflag:s23], $0x1  }
0xa5: {  	[sflag:s23] =	ssyncset.done $0x0  }
0xa6: {  	s25 =	simm.s32 $0x1B8E;
	s24 =	sld [smem:$0x3FFE];
	[sflag:s23] =	ssyncadd.s32 $0xFFFFFFFF  }
0xa7: {  	s26 =	simm.s32 $execute0_lowered;
	[smem:$0x3FD2] =	sst s25  }
0xa8: {  	s7 =	sshll.u32 s26, $0x1;
	_ =	strace $0x80000046;
	[dreg:$0x1] =	wrdreg $0xFFFFFFFF  }
0xa9: {  	s28 =	simm.s32 $_size_execute0_lowered;
	s5 =	sadd.s32 s5, s7;
	[dreg:$0x0] =	wrdreg $0x0  }
0xaa: {  	s7 =	sshll.u32 s28, $0x1;
	[dreg:$0x2] =	wrdreg s5  }
0xab: {  	[dreg:$0x3] =	wrdreg s7  }
0xac: {  	[dreg:$0x4] =	wrdreg $0xC0  }
0xad: {  	_ =	task [dreg:s9], $0x5FFFF  }
0xae: {  	[dreg:$0x1] =	wrdreg $0xFFFFFFFF  }
0xaf: {  	[dreg:$0x0] =	wrdreg $0x60  }
0xb0: {  	[dreg:$0x2] =	wrdreg s4  }
0xb1: {  	[dreg:$0x3] =	wrdreg s18  }
0xb2: {  	[dreg:$0x4] =	wrdreg s2  }
0xb3: {  	[dreg:$0x5] =	wrdreg s24  }
0xb4: {  	[dreg:$0x6] =	wrdreg $0x1E0800  }
0xb5: {  	[dreg:$0x7] =	wrdreg $0x9  }
0xb6: {  	_ =	task.clear_ibuf [dreg:s9], $0x8FFFF;
	_ =	strace $0x90000046  }
0xb7: {  	s29 =	simm.s32 $0x9;
	_ =	strace $0x80000048  }
0xb8: {  	_ =	swait.ge [sflag:s29], $0x1  }
0xb9: {  	[sflag:s29] =	ssyncadd.s32 $0xFFFFFFFF  }
0xba: {  	_ =	strace $0x90000048  }
0xbb: {  	_ =	sfence  }
0xbc: {  	s30 =	sld [smem:$0x0];
	_ =	sdelay $0x2  }
0xbd: {  	s31 =	sshll.u32 s1, $0xD;
	s1 =	sshrl.u32 s1, $0x2  }
0xbe: {  	s3 =	sand.u32 $0x4000, s31;
	s1 =	sadd.s32 s1, s30  }
0xbf: {  	s0 =	sor.u32 s3, s0;
	s1 =	sshll.u32 s1, $0x11  }
0xc0: {  	s0 =	sor.u32 s1, s0  }
0xc1: {  	s0 =	sadd.s32 $0x8F2B, s0  }
0xc2: {  	[sflag:s0] =	ssyncadd.remote.s32 $0x1  }
0xc3: {  	_ =	sfence.sel $0xFFFF  }
0xc4: {  	[dreg:$0x0] =	wrdreg $0xFFFFFFFF;
	(pc) =	sbr.abs _section_cstart, $3  }
0xc5: {  	[dreg:$0x1] =	wrdreg $0xFFFFFFFF  }
0xc6: {  	_ =	task.clear_ibuf [dreg:s9], $0x2FFFF;
	_ =	strace $0x9FFFFFFF  }
0xc7: {  	(tm) =	ssettm $0x7FFFFFFF  }
tec
execute0_lowered:
.L_overlay_start_1:
0x0: {  	(tag) =	ssettag $0x1  }
0x1: {  	s2 =	rddreg [dreg:$0x1]  }
0x2: {  	s3 =	rddreg [dreg:$0x2]  }
0x3: {  	s0 =	rddreg [dreg:$0x3]  }
0x4: {  	s5 =	rddreg [dreg:$0x4]  }
0x5: {  	s1 =	srdreg.scid;
	s6 =	simm.s32 $0x0;
	s10 =	stileid.u32  }
0x6: {  	s18 =	simm.s32 $0x18800;
	s19 =	simm.s32 $0x4;
	s20 =	simm.s32 $0x80  }
0x7: {  	s21 =	simm.s32 $0x100;
	s22 =	simm.s32 $0x1A080;
	s28 =	simm.s32 $0x1B880  }
0x8: {  	s29 =	simm.s32 $0x1C080;
	s30 =	simm.s32 $0x1C880;
	s31 =	simm.s32 $0x1D080  }
0x9: {  	s1 =	sand.u32 $0x1, s1;
	[smem:$0x7FF] =	sst s6;
	s7 =	sshll.u32 s10, $0x1  }
0xa: {  	s10 =	smul.u32 $0x1880, s10;
	s4 =	ssub.s32 $0x2, s1;
	s9 =	sor.u32 s1, s7  }
0xb: {  	_ =	strace $0x80000047;
	p0 =	seq.s32 s1, $0x1;
	s1 =	simm.s32 $0x4000  }
0xc: {  	s8 =	sshrl.u32 s4, $0x1;
	s11 =	smul.u32 $0xC200, s9;
	s7 =	sadd.s32 s10, s5  }
0xd: {  	s12 =	smul.u32 $0x6100, s9;
	s23 =	sshll.u32 s9, $0xB;
	s1 =	simm.s32 @!p0 $0xE00  }
0xe: {  	s10 =	sshrl.u32 s10, $0x3;
	p0 =	sgt.u32 s9, $0x14;
	s4 =	ssub.s32 s4, s8  }
0xf: {  	s8 =	sadd.s32 $0x10, s2;
	s0 =	sadd.s32 s1, s0;
	s1 =	simm.s32 $0x1D880  }
0x10: {  	s13 =	sadd.s32 s2, s11;
	s11 =	sadd.s32 s11, s8;
	s12 =	sadd.s32 s3, s12  }
0x11: {  	s26 =	smax.u32 s4, $0x1;
	s17 =	sadd.s32 s0, s10;
	[dreg:$0x6] =	wrdreg s13  }
0x12: {  	s0 =	simm.s32 $0x3;
	s4 =	simm.s32 $0x2;
	[dreg:$0x7] =	wrdreg s11  }
0x13: {  	[dreg:$0x8] =	wrdreg s12;
	s12 =	smul.u32 $0x30800, s9;
	s11 =	sor.u32 $0x610000, s23  }
.Ltmp0:
0x14: {  	[dreg:$0xc] =	wrdreg s26;
	s24 =	sshrl.u32 s11, $0x2;
	(pc) =	sbr.rel .LBB2_1-.Ltmp0, $4  }
0x15: {  	s23 =	simm.s32 $0x1A880;
	s26 =	simm.s32 $0x800;
	s14 =	sadd.s32 s2, s24  }
0x16: {  	s11 =	sshrl.u32 s11, $0x3;
	s13 =	sadd.s32 s24, s8;
	[dreg:$0x9] =	wrdreg s14  }
0x17: {  	s25 =	sadd.s32 s3, s11;
	s24 =	simm.s32 $0x1B080;
	[dreg:$0xa] =	wrdreg s13  }
0x18: {  	v0 =	vimm.f32 $0.0e+00;
	[dreg:$0xb] =	wrdreg s25;
	s25 =	simm.s32 $0x1;
	s13 =	simm.s32 $0x0  }
.LBB2_15:
0x19: {  	[bflag:$0x0] =	sbarrier.arrive $0xFFFF  }
0x1a: {  	[tilespmem:s18], [sflag:$0x4] =	stream.linear.gather [spmem:s7], $0x1880, $0x38;
	[tilespmem:$0x1F900] =	vst v63  }
0x1b: {  	_ =	swait.ge [sflag:s19], $0x1880  }
0x1c: {  	[sflag:s19] =	ssyncset.done $0x0  }
0x1d: {  	[sflag:s19] =	ssyncadd.s32 $0xFFFFE780  }
0x1e: {  	[hbm4b:s17+s6] =	stream.linear.scatter [tilespmem:s18], [sflag:$0x4], $0x1880, $0x38;
	[tilespmem:$0x1F900] =	vst v63  }
0x1f: {  	_ =	swait.ge [sflag:s19], $0x1880  }
0x20: {  	s13 =	sadd.s32 $0x1, s13;
	s9 =	rddreg [dreg:$0xc]  }
0x21: {  	p1 =	sne.s32 s13, s9  }
.Ltmp1:
0x22: {  	_ = 	snop;
	(pc) =	sbr.rel @!p1 .LBB2_16-.Ltmp1, $3  }
0x23: {  	_ =	sdelay $0x1  }
0x24: {  	[sflag:s19] =	ssyncset.done $0x0  }
0x25: {  	[sflag:s19] =	ssyncadd.s32 $0xFFFFE780  }
.LBB2_1:
0x26: {  	s9 =	simm.s32 $0x40;
	s10 =	simm.s32 $0x0  }
.LBB2_2:
0x27: {  	p1 =	sne.s32 s9, $0x61C0;
	[tilespmem:s10+$0x18800] =	vst v0;
	s10 =	smov.u32 s9;
	s9 =	sadd.s32 $0x40, s9  }
.Ltmp2:
0x28: {  	(pc) =	sbr.rel @p1 .LBB2_2-.Ltmp2, $2  }
0x29: {  	_ =	sdelay $0x2  }
0x2a: {  	s10 =	sshra.s32 s10, $0x2  }
0x2b: {  	[tilespmem:s10+$0x18800] =	vst v0  }
0x2c: {  	[spmem:s7] =	stream.linear.scatter [tilespmem:s18], [sflag:$0x4], $0x1880, $0x38;
	[tilespmem:$0x1F900] =	vst v63  }
0x2d: {  	_ =	swait.ge [sflag:s19], $0x1880  }
0x2e: {  	[sflag:s19] =	ssyncset.done $0x0  }
0x2f: {  	[sflag:s19] =	ssyncadd.s32 $0xFFFFE780  }
0x30: {  	s14 =	simm.s32 $0x0;
	s9 =	rddreg [dreg:$0x0]  }
0x31: {  	[tilespmem:s14], [sflag:$0x4] =	stream.linear.gather [hbm4b:s9+s14], $0x18800, $0x38;
	[tilespmem:$0x1F900] =	vst v63  }
0x32: {  	_ =	swait.ge [sflag:s19], $0x18800  }
0x33: {  	[sflag:s19] =	ssyncset.done $0x0  }
0x34: {  	[sflag:s19] =	ssyncadd.s32 $0xFFFE7800  }
0x35: {  	[bflag:$0x0] =	sbarrier.arrive $0xFFFF  }
0x36: {  	s11 =	rddreg [dreg:$0x6]  }
0x37: {  	[tilespmem:s22], [sflag:$0x1] =	stream.strided.gather [hbm4b:s11+s20], $0x800, s21, s20, $0x38;
	[tilespmem:$0x1F900] =	vst v63  }
0x38: {  	s15 =	rddreg [dreg:$0x7]  }
0x39: {  	[tilespmem:s23], [sflag:$0x1] =	stream.strided.gather [hbm4b:s15+s20], $0x800, s21, s20, $0x38;
	[tilespmem:$0x1F900] =	vst v63  }
0x3a: {  	s16 =	rddreg [dreg:$0x8]  }
0x3b: {  	[tilespmem:s24], [sflag:$0x1] =	stream.linear.gather [hbm4b:s16+s14], $0x800, $0x38;
	[tilespmem:$0x1F900] =	vst v63  }
.LBB2_4:
0x3c: {  	_ =	swait.ge [sflag:s25], $0x800  }
0x3d: {  	[sflag:s25] =	ssyncset.done $0x0  }
0x3e: {  	[sflag:s25] =	ssyncadd.s32 $0xFFFFF800  }
0x3f: {  	_ =	swait.ge [sflag:s25], $0x800  }
0x40: {  	[sflag:s25] =	ssyncset.done $0x0  }
0x41: {  	[sflag:s25] =	ssyncadd.s32 $0xFFFFF800  }
0x42: {  	_ =	swait.ge [sflag:s25], $0x800  }
0x43: {  	[sflag:s25] =	ssyncset.done $0x0  }
0x44: {  	s9 =	simm.s32 $0x1A0A0;
	[sflag:s25] =	ssyncadd.s32 $0xFFFFF800  }
0x45: {  	v1 =	vld [tilespmem:s9+$0x10]  }
0x46: {  	v2 =	vld [tilespmem:s9+$0xFFFFFFF0]  }
0x47: {  	v3 =	vld [tilespmem:s9+$0xFFFFFFE0]  }
0x48: {  	s16 =	simm.s32 $0x1B0A0;
	v4 =	vld [tilespmem:s9+$0x0]  }
0x49: {  	s10 =	simm.s32 $0x1A0E0;
	v7 =	vld [tilespmem:s16+$0x10]  }
0x4a: {  	v5 =	vld [tilespmem:s10+$0x10]  }
0x4b: {  	v10 =	vld [tilespmem:s10+$0xFFFFFFF0]  }
0x4c: {  	v11 =	vld [tilespmem:s10+$0xFFFFFFE0]  }
0x4d: {  	v12 =	vld [tilespmem:s16+$0xFFFFFFE0]  }
0x4e: {  	v13 =	vld [tilespmem:s16+$0xFFFFFFF0]  }
0x4f: {  	v6 =	vld [tilespmem:s16+$0x0]  }
0x50: {  	v1 =	vld.idx.msk [tilespmem:v1+s6+$0x0], $0xffff  }
0x51: {  	v9 =	vld.idx.msk [tilespmem:v2+s6+$0x0], $0xffff  }
0x52: {  	v8 =	vld.idx.msk [tilespmem:v3+s6+$0x0], $0xffff  }
0x53: {  	v2 =	vld [tilespmem:s10+$0x0]  }
0x54: {  	v3 =	vld.idx.msk [tilespmem:v4+s6+$0x0], $0xffff  }
0x55: {  	s9 =	simm.s32 $0x1B0E0;
	v5 =	vld.idx.msk [tilespmem:v5+s6+$0x0], $0xffff  }
0x56: {  	v1 =	vmul.f32 v7, v1;
	v7 =	vld [tilespmem:s9+$0x10]  }
0x57: {  	s15 =	simm.s32 $0x1B8A0;
	v4 =	vld.idx.msk [tilespmem:v10+s6+$0x0], $0xffff;
	v8 =	vmul.f32 v12, v8  }
0x58: {  	s11 =	simm.s32 $0x1A120;
	s10 =	simm.s32 $0x40;
	v9 =	vmul.f32 v13, v9;
	[tilespmem:s15+$0x10] =	vst v1;
	v1 =	vld.idx.msk [tilespmem:v11+s6+$0x0], $0xffff  }
.LBB2_5:
0x59: {  	v10 =	vld [tilespmem:s11+$0x10];
	s10 =	sadd.s32 $0x40, s10;
	[tilespmem:s15+$0xFFFFFFE0] =	vst v8;
	v3 =	vmul.f32 v6, v3  }
0x5a: {  	v8 =	vld [tilespmem:s11+$0xFFFFFFF0];
	p1 =	slt.u32 s10, $0x7C0;
	[tilespmem:s15+$0xFFFFFFF0] =	vst v9  }
0x5b: {  	v9 =	vld [tilespmem:s11+$0x0];
	v5 =	vmul.f32 v7, v5;
	[tilespmem:s15+$0x0] =	vst v3  }
0x5c: {  	s15 =	sadd.s32 $0x40, s15;
	v11 =	vld [tilespmem:s11+$0xFFFFFFE0]  }
0x5d: {  	v12 =	vmov v4;
	v3 =	vld.idx.msk [tilespmem:v2+s6+$0x0], $0xffff;
	[tilespmem:s15+$0x10] =	vst v5  }
0x5e: {  	v13 =	vld [tilespmem:s9+$0xFFFFFFE0]  }
0x5f: {  	v14 =	vld [tilespmem:s9+$0xFFFFFFF0]  }
.Ltmp3:
0x60: {  	v6 =	vld [tilespmem:s9+$0x0];
	v2 =	vmov v9;
	(pc) =	sbr.rel @p1 .LBB2_5-.Ltmp3, $4  }
0x61: {  	s9 =	sadd.s32 $0x40, s9;
	v5 =	vld.idx.msk [tilespmem:v10+s6+$0x0], $0xffff  }
0x62: {  	v7 =	vld [tilespmem:s9+$0x10]  }
0x63: {  	v4 =	vld.idx.msk [tilespmem:v8+s6+$0x0], $0xffff;
	v8 =	vmul.f32 v13, v1  }
0x64: {  	s11 =	sadd.s32 $0x40, s11;
	v1 =	vld.idx.msk [tilespmem:v11+s6+$0x0], $0xffff;
	v9 =	vmul.f32 v14, v12  }
0x65: {  	_ =	sdelay $0x3  }
0x66: {  	v2 =	vld.idx.msk [tilespmem:v2+s6+$0x0], $0xffff  }
0x67: {  	v10 =	vld [tilespmem:s9+$0xFFFFFFE0]  }
0x68: {  	v11 =	vld [tilespmem:s9+$0xFFFFFFF0]  }
0x69: {  	v12 =	vld [tilespmem:s9+$0x0]  }
0x6a: {  	[tilespmem:s15+$0xFFFFFFE0] =	vst v8;
	v3 =	vmul.f32 v6, v3  }
0x6b: {  	[tilespmem:s15+$0xFFFFFFF0] =	vst v9;
	v5 =	vmul.f32 v7, v5  }
0x6c: {  	[tilespmem:s15+$0x0] =	vst v3;
	s15 =	sadd.s32 $0x40, s15;
	v1 =	vmul.f32 v10, v1  }
0x6d: {  	[tilespmem:s15+$0x10] =	vst v5;
	v3 =	vmul.f32 v11, v4  }
0x6e: {  	[tilespmem:s15+$0xFFFFFFE0] =	vst v1;
	v1 =	vmul.f32 v12, v2  }
0x6f: {  	s16 =	sshll.u32 s14, $0xC;
	[tilespmem:s15+$0xFFFFFFF0] =	vst v3  }
0x70: {  	[tilespmem:s15+$0x0] =	vst v1;
	s15 =	sadd.s32 s12, s16  }
0x71: {  	[spmem:s5] =	stream.indirect.scatter.add.f32 [tilespmem:s28], [sflag:$0x3], $0x1, s23, s26, $0xb8;
	[tilespmem:$0x1F900] =	vst v63  }
0x72: {  	s9 =	sadd.s32 $0x800, s15  }
0x73: {  	s10 =	sshrl.u32 s9, $0x2  }
0x74: {  	s11 =	sadd.s32 s2, s10  }
0x75: {  	[tilespmem:s29], [sflag:$0x2] =	stream.strided.gather [hbm4b:s11+s20], $0x800, s21, s20, $0x38;
	[tilespmem:$0x1F900] =	vst v63  }
0x76: {  	s9 =	sshrl.u32 s9, $0x3;
	s10 =	sadd.s32 s10, s8  }
0x77: {  	[tilespmem:s30], [sflag:$0x2] =	stream.strided.gather [hbm4b:s10+s20], $0x800, s21, s20, $0x38;
	[tilespmem:$0x1F900] =	vst v63  }
0x78: {  	s9 =	sadd.s32 s3, s9  }
0x79: {  	[tilespmem:s31], [sflag:$0x2] =	stream.linear.gather [hbm4b:s9+s6], $0x800, $0x38;
	[tilespmem:$0x1F900] =	vst v63  }
0x7a: {  	_ =	swait.ge [sflag:s0], $0x800  }
0x7b: {  	[sflag:s0] =	ssyncset.done $0x0  }
0x7c: {  	[sflag:s0] =	ssyncadd.s32 $0xFFFFF800  }
0x7d: {  	_ =	swait.ge [sflag:s4], $0x800  }
0x7e: {  	[sflag:s4] =	ssyncset.done $0x0  }
0x7f: {  	[sflag:s4] =	ssyncadd.s32 $0xFFFFF800  }
0x80: {  	_ =	swait.ge [sflag:s4], $0x800  }
0x81: {  	[sflag:s4] =	ssyncset.done $0x0  }
0x82: {  	[sflag:s4] =	ssyncadd.s32 $0xFFFFF800  }
0x83: {  	_ =	swait.ge [sflag:s4], $0x800  }
0x84: {  	[sflag:s4] =	ssyncset.done $0x0  }
0x85: {  	s10 =	simm.s32 $0x1C0A0;
	[sflag:s4] =	ssyncadd.s32 $0xFFFFF800  }
0x86: {  	v1 =	vld [tilespmem:s10+$0x10]  }
0x87: {  	v2 =	vld [tilespmem:s10+$0xFFFFFFF0]  }
0x88: {  	v3 =	vld [tilespmem:s10+$0xFFFFFFE0]  }
0x89: {  	s11 =	simm.s32 $0x1D0A0;
	v4 =	vld [tilespmem:s10+$0x0]  }
0x8a: {  	s16 =	simm.s32 $0x1C0E0;
	v7 =	vld [tilespmem:s11+$0x10]  }
0x8b: {  	v5 =	vld [tilespmem:s16+$0x10]  }
0x8c: {  	v10 =	vld [tilespmem:s16+$0xFFFFFFF0]  }
0x8d: {  	v11 =	vld [tilespmem:s16+$0xFFFFFFE0]  }
0x8e: {  	v63 =	vld [tilespmem:s11+$0xFFFFFFE0]  }
0x8f: {  	v13 =	vld [tilespmem:s11+$0xFFFFFFF0]  }
0x90: {  	v6 =	vld [tilespmem:s11+$0x0]  }
0x91: {  	v1 =	vld.idx.msk [tilespmem:v1+s6+$0x0], $0xffff  }
0x92: {  	v9 =	vld.idx.msk [tilespmem:v2+s6+$0x0], $0xffff  }
0x93: {  	v8 =	vld.idx.msk [tilespmem:v3+s6+$0x0], $0xffff  }
0x94: {  	v2 =	vld [tilespmem:s16+$0x0]  }
0x95: {  	v3 =	vld.idx.msk [tilespmem:v4+s6+$0x0], $0xffff  }
0x96: {  	s10 =	simm.s32 $0x1D0E0;
	v5 =	vld.idx.msk [tilespmem:v5+s6+$0x0], $0xffff  }
0x97: {  	v1 =	vmul.f32 v7, v1;
	v7 =	vld [tilespmem:s10+$0x10]  }
0x98: {  	s9 =	simm.s32 $0x1D8A0;
	v4 =	vld.idx.msk [tilespmem:v10+s6+$0x0], $0xffff;
	v8 =	vmul.f32 v63, v8  }
0x99: {  	s11 =	simm.s32 $0x40;
	s16 =	simm.s32 $0x1C120;
	v9 =	vmul.f32 v13, v9;
	[tilespmem:s9+$0x10] =	vst v1;
	v1 =	vld.idx.msk [tilespmem:v11+s6+$0x0], $0xffff  }
.LBB2_7:
0x9a: {  	v10 =	vld [tilespmem:s16+$0x10];
	s11 =	sadd.s32 $0x40, s11;
	[tilespmem:s9+$0xFFFFFFE0] =	vst v8;
	v3 =	vmul.f32 v6, v3  }
0x9b: {  	v8 =	vld [tilespmem:s16+$0xFFFFFFF0];
	p1 =	slt.u32 s11, $0x7C0;
	[tilespmem:s9+$0xFFFFFFF0] =	vst v9  }
0x9c: {  	v9 =	vld [tilespmem:s16+$0x0];
	v5 =	vmul.f32 v7, v5;
	[tilespmem:s9+$0x0] =	vst v3  }
0x9d: {  	s9 =	sadd.s32 $0x40, s9;
	v11 =	vld [tilespmem:s16+$0xFFFFFFE0]  }
0x9e: {  	v12 =	vmov v4;
	v3 =	vld.idx.msk [tilespmem:v2+s6+$0x0], $0xffff;
	[tilespmem:s9+$0x10] =	vst v5  }
0x9f: {  	v13 =	vld [tilespmem:s10+$0xFFFFFFE0]  }
0xa0: {  	v14 =	vld [tilespmem:s10+$0xFFFFFFF0]  }
.Ltmp4:
0xa1: {  	v6 =	vld [tilespmem:s10+$0x0];
	v2 =	vmov v9;
	(pc) =	sbr.rel @p1 .LBB2_7-.Ltmp4, $4  }
0xa2: {  	s10 =	sadd.s32 $0x40, s10;
	v5 =	vld.idx.msk [tilespmem:v10+s6+$0x0], $0xffff  }
0xa3: {  	v7 =	vld [tilespmem:s10+$0x10]  }
0xa4: {  	v4 =	vld.idx.msk [tilespmem:v8+s6+$0x0], $0xffff;
	v8 =	vmul.f32 v13, v1  }
0xa5: {  	s16 =	sadd.s32 $0x40, s16;
	v1 =	vld.idx.msk [tilespmem:v11+s6+$0x0], $0xffff;
	v9 =	vmul.f32 v14, v12  }
0xa6: {  	_ =	sdelay $0x3  }
0xa7: {  	v2 =	vld.idx.msk [tilespmem:v2+s6+$0x0], $0xffff  }
0xa8: {  	v10 =	vld [tilespmem:s10+$0xFFFFFFE0]  }
0xa9: {  	v11 =	vld [tilespmem:s10+$0xFFFFFFF0]  }
0xaa: {  	v12 =	vld [tilespmem:s10+$0x0]  }
0xab: {  	[tilespmem:s9+$0xFFFFFFE0] =	vst v8;
	v3 =	vmul.f32 v6, v3  }
0xac: {  	[tilespmem:s9+$0xFFFFFFF0] =	vst v9;
	v5 =	vmul.f32 v7, v5  }
0xad: {  	s11 =	sadd.s32 $0x40, s9;
	[tilespmem:s9+$0x0] =	vst v3;
	v1 =	vmul.f32 v10, v1  }
0xae: {  	[tilespmem:s11+$0x10] =	vst v5;
	v3 =	vmul.f32 v11, v4  }
0xaf: {  	[tilespmem:s11+$0xFFFFFFE0] =	vst v1;
	v1 =	vmul.f32 v12, v2  }
0xb0: {  	s15 =	sadd.s32 $0x1000, s15;
	[tilespmem:s11+$0xFFFFFFF0] =	vst v3  }
0xb1: {  	s16 =	sshrl.u32 s15, $0x2;
	[tilespmem:s11+$0x0] =	vst v1  }
0xb2: {  	[spmem:s5] =	stream.indirect.scatter.add.f32 [tilespmem:s1], [sflag:$0x3], $0x1, s30, s26, $0xb8;
	[tilespmem:$0x1F900] =	vst v63  }
0xb3: {  	s14 =	sadd.s32 $0x1, s14;
	s11 =	sadd.s32 s2, s16  }
0xb4: {  	[tilespmem:s22], [sflag:$0x1] =	stream.strided.gather [hbm4b:s11+s20], $0x800, s21, s20, $0x38;
	[tilespmem:$0x1F900] =	vst v63  }
0xb5: {  	p1 =	sne.s32 s14, $0x30;
	s10 =	sadd.s32 s16, s8;
	s9 =	sshrl.u32 s15, $0x3  }
0xb6: {  	[tilespmem:s23], [sflag:$0x1] =	stream.strided.gather [hbm4b:s10+s20], $0x800, s21, s20, $0x38;
	[tilespmem:$0x1F900] =	vst v63  }
.Ltmp5:
0xb7: {  	s9 =	sadd.s32 s3, s9;
	(pc) =	sbr.rel @p1 .LBB2_4-.Ltmp5, $4  }
0xb8: {  	[tilespmem:s24], [sflag:$0x1] =	stream.linear.gather [hbm4b:s9+s6], $0x800, $0x38;
	[tilespmem:$0x1F900] =	vst v63  }
0xb9: {  	_ =	swait.ge [sflag:s0], $0x800  }
0xba: {  	[sflag:s0] =	ssyncset.done $0x0  }
0xbb: {  	[sflag:s0] =	ssyncadd.s32 $0xFFFFF800  }
0xbc: {  	_ =	swait.ge [sflag:s25], $0x800  }
0xbd: {  	[sflag:s25] =	ssyncset.done $0x0  }
0xbe: {  	[sflag:s25] =	ssyncadd.s32 $0xFFFFF800  }
0xbf: {  	_ =	swait.ge [sflag:s25], $0x800  }
0xc0: {  	[sflag:s25] =	ssyncset.done $0x0  }
0xc1: {  	[sflag:s25] =	ssyncadd.s32 $0xFFFFF800  }
0xc2: {  	_ =	swait.ge [sflag:s25], $0x800  }
0xc3: {  	[sflag:s25] =	ssyncset.done $0x0  }
0xc4: {  	s9 =	simm.s32 $0x1A0A0;
	[sflag:s25] =	ssyncadd.s32 $0xFFFFF800  }
0xc5: {  	v1 =	vld [tilespmem:s9+$0x10]  }
0xc6: {  	v2 =	vld [tilespmem:s9+$0xFFFFFFF0]  }
0xc7: {  	v3 =	vld [tilespmem:s9+$0xFFFFFFE0]  }
0xc8: {  	s16 =	simm.s32 $0x1B0A0;
	v4 =	vld [tilespmem:s9+$0x0]  }
0xc9: {  	s10 =	simm.s32 $0x1A0E0;
	v7 =	vld [tilespmem:s16+$0x10]  }
0xca: {  	v5 =	vld [tilespmem:s10+$0x10]  }
0xcb: {  	v10 =	vld [tilespmem:s10+$0xFFFFFFF0]  }
0xcc: {  	v11 =	vld [tilespmem:s10+$0xFFFFFFE0]  }
0xcd: {  	v12 =	vld [tilespmem:s16+$0xFFFFFFE0]  }
0xce: {  	v13 =	vld [tilespmem:s16+$0xFFFFFFF0]  }
0xcf: {  	v6 =	vld [tilespmem:s16+$0x0]  }
0xd0: {  	v1 =	vld.idx.msk [tilespmem:v1+s6+$0x0], $0xffff  }
0xd1: {  	v9 =	vld.idx.msk [tilespmem:v2+s6+$0x0], $0xffff  }
0xd2: {  	v8 =	vld.idx.msk [tilespmem:v3+s6+$0x0], $0xffff  }
0xd3: {  	v2 =	vld [tilespmem:s10+$0x0]  }
0xd4: {  	v3 =	vld.idx.msk [tilespmem:v4+s6+$0x0], $0xffff  }
0xd5: {  	v5 =	vld.idx.msk [tilespmem:v5+s6+$0x0], $0xffff;
	s10 =	simm.s32 $0x1B0E0  }
0xd6: {  	v1 =	vmul.f32 v7, v1;
	v7 =	vld [tilespmem:s10+$0x10]  }
0xd7: {  	s9 =	simm.s32 $0x1B8A0;
	v4 =	vld.idx.msk [tilespmem:v10+s6+$0x0], $0xffff;
	v8 =	vmul.f32 v12, v8  }
0xd8: {  	s11 =	simm.s32 $0x40;
	s14 =	simm.s32 $0x1A120;
	v9 =	vmul.f32 v13, v9;
	[tilespmem:s9+$0x10] =	vst v1;
	v1 =	vld.idx.msk [tilespmem:v11+s6+$0x0], $0xffff  }
.LBB2_10:
0xd9: {  	v10 =	vld [tilespmem:s14+$0x10];
	s11 =	sadd.s32 $0x40, s11;
	[tilespmem:s9+$0xFFFFFFE0] =	vst v8;
	v3 =	vmul.f32 v6, v3  }
0xda: {  	v8 =	vld [tilespmem:s14+$0xFFFFFFF0];
	p1 =	slt.u32 s11, $0x7C0;
	[tilespmem:s9+$0xFFFFFFF0] =	vst v9  }
0xdb: {  	v9 =	vld [tilespmem:s14+$0x0];
	v5 =	vmul.f32 v7, v5;
	[tilespmem:s9+$0x0] =	vst v3  }
0xdc: {  	s9 =	sadd.s32 $0x40, s9;
	v11 =	vld [tilespmem:s14+$0xFFFFFFE0]  }
0xdd: {  	v12 =	vmov v4;
	v3 =	vld.idx.msk [tilespmem:v2+s6+$0x0], $0xffff;
	[tilespmem:s9+$0x10] =	vst v5  }
0xde: {  	v13 =	vld [tilespmem:s10+$0xFFFFFFE0]  }
0xdf: {  	v14 =	vld [tilespmem:s10+$0xFFFFFFF0]  }
.Ltmp6:
0xe0: {  	v6 =	vld [tilespmem:s10+$0x0];
	v2 =	vmov v9;
	(pc) =	sbr.rel @p1 .LBB2_10-.Ltmp6, $4  }
0xe1: {  	s10 =	sadd.s32 $0x40, s10;
	v5 =	vld.idx.msk [tilespmem:v10+s6+$0x0], $0xffff  }
0xe2: {  	v7 =	vld [tilespmem:s10+$0x10]  }
0xe3: {  	v4 =	vld.idx.msk [tilespmem:v8+s6+$0x0], $0xffff;
	v8 =	vmul.f32 v13, v1  }
0xe4: {  	s14 =	sadd.s32 $0x40, s14;
	v1 =	vld.idx.msk [tilespmem:v11+s6+$0x0], $0xffff;
	v9 =	vmul.f32 v14, v12  }
0xe5: {  	_ =	sdelay $0x3  }
0xe6: {  	v2 =	vld.idx.msk [tilespmem:v2+s6+$0x0], $0xffff  }
0xe7: {  	v10 =	vld [tilespmem:s10+$0xFFFFFFE0]  }
0xe8: {  	v11 =	vld [tilespmem:s10+$0xFFFFFFF0]  }
0xe9: {  	v12 =	vld [tilespmem:s10+$0x0]  }
0xea: {  	[tilespmem:s9+$0xFFFFFFE0] =	vst v8;
	v3 =	vmul.f32 v6, v3  }
0xeb: {  	[tilespmem:s9+$0xFFFFFFF0] =	vst v9;
	v5 =	vmul.f32 v7, v5  }
0xec: {  	s16 =	sadd.s32 $0x40, s9;
	[tilespmem:s9+$0x0] =	vst v3;
	v1 =	vmul.f32 v10, v1  }
0xed: {  	[tilespmem:s16+$0x10] =	vst v5;
	v3 =	vmul.f32 v11, v4  }
0xee: {  	[tilespmem:s16+$0xFFFFFFE0] =	vst v1;
	v1 =	vmul.f32 v12, v2  }
0xef: {  	[tilespmem:s16+$0xFFFFFFF0] =	vst v3  }
.Ltmp7:
0xf0: {  	[tilespmem:s16+$0x0] =	vst v1;
	(pc) =	sbr.rel @p0 .LBB2_15-.Ltmp7, $4  }
0xf1: {  	[spmem:s5] =	stream.indirect.scatter.add.f32 [tilespmem:s28], [sflag:$0x3], $0x1, s23, s26, $0xb8;
	[tilespmem:$0x1F900] =	vst v63  }
0xf2: {  	_ =	swait.ge [sflag:s0], $0x800  }
0xf3: {  	[sflag:s0] =	ssyncset.done $0x0  }
0xf4: {  	[sflag:s0] =	ssyncadd.s32 $0xFFFFF800  }
0xf5: {  	s9 =	rddreg [dreg:$0x9]  }
0xf6: {  	[tilespmem:s22], [sflag:$0x4] =	stream.strided.gather [hbm4b:s9+s20], $0x800, s21, s20, $0x38;
	[tilespmem:$0x1F900] =	vst v63  }
0xf7: {  	_ =	swait.ge [sflag:s19], $0x800  }
0xf8: {  	[sflag:s19] =	ssyncset.done $0x0  }
0xf9: {  	s11 =	rddreg [dreg:$0xa];
	[sflag:s19] =	ssyncadd.s32 $0xFFFFF800  }
0xfa: {  	[tilespmem:s23], [sflag:$0x4] =	stream.strided.gather [hbm4b:s11+s20], $0x800, s21, s20, $0x38;
	[tilespmem:$0x1F900] =	vst v63  }
0xfb: {  	_ =	swait.ge [sflag:s19], $0x800  }
0xfc: {  	[sflag:s19] =	ssyncset.done $0x0  }
0xfd: {  	s14 =	rddreg [dreg:$0xb];
	[sflag:s19] =	ssyncadd.s32 $0xFFFFF800  }
0xfe: {  	[tilespmem:s24], [sflag:$0x4] =	stream.linear.gather [hbm4b:s14+s6], $0x800, $0x38;
	[tilespmem:$0x1F900] =	vst v63  }
0xff: {  	_ =	swait.ge [sflag:s19], $0x800  }
0x100: {  	[sflag:s19] =	ssyncset.done $0x0  }
0x101: {  	s15 =	simm.s32 $0x1A0A0;
	[sflag:s19] =	ssyncadd.s32 $0xFFFFF800  }
0x102: {  	v1 =	vld [tilespmem:s15+$0x10]  }
0x103: {  	v2 =	vld [tilespmem:s15+$0xFFFFFFF0]  }
0x104: {  	v3 =	vld [tilespmem:s15+$0xFFFFFFE0]  }
0x105: {  	s16 =	simm.s32 $0x1B0A0;
	v4 =	vld [tilespmem:s15+$0x0]  }
0x106: {  	s10 =	simm.s32 $0x1A0E0;
	v7 =	vld [tilespmem:s16+$0x10]  }
0x107: {  	v5 =	vld [tilespmem:s10+$0x10]  }
0x108: {  	v10 =	vld [tilespmem:s10+$0xFFFFFFF0]  }
0x109: {  	v11 =	vld [tilespmem:s10+$0xFFFFFFE0]  }
0x10a: {  	v12 =	vld [tilespmem:s16+$0xFFFFFFE0]  }
0x10b: {  	v13 =	vld [tilespmem:s16+$0xFFFFFFF0]  }
0x10c: {  	v6 =	vld [tilespmem:s16+$0x0]  }
0x10d: {  	v1 =	vld.idx.msk [tilespmem:v1+s6+$0x0], $0xffff  }
0x10e: {  	v9 =	vld.idx.msk [tilespmem:v2+s6+$0x0], $0xffff  }
0x10f: {  	v8 =	vld.idx.msk [tilespmem:v3+s6+$0x0], $0xffff  }
0x110: {  	v2 =	vld [tilespmem:s10+$0x0]  }
0x111: {  	v3 =	vld.idx.msk [tilespmem:v4+s6+$0x0], $0xffff  }
0x112: {  	v5 =	vld.idx.msk [tilespmem:v5+s6+$0x0], $0xffff;
	s10 =	simm.s32 $0x1B0E0  }
0x113: {  	v1 =	vmul.f32 v7, v1;
	v7 =	vld [tilespmem:s10+$0x10]  }
0x114: {  	s9 =	simm.s32 $0x1B8A0;
	v4 =	vld.idx.msk [tilespmem:v10+s6+$0x0], $0xffff;
	v8 =	vmul.f32 v12, v8  }
0x115: {  	s11 =	simm.s32 $0x40;
	s14 =	simm.s32 $0x1A120;
	v9 =	vmul.f32 v13, v9;
	[tilespmem:s9+$0x10] =	vst v1;
	v1 =	vld.idx.msk [tilespmem:v11+s6+$0x0], $0xffff  }
.LBB2_13:
0x116: {  	v10 =	vld [tilespmem:s14+$0x10];
	s11 =	sadd.s32 $0x40, s11;
	[tilespmem:s9+$0xFFFFFFE0] =	vst v8;
	v3 =	vmul.f32 v6, v3  }
0x117: {  	v8 =	vld [tilespmem:s14+$0xFFFFFFF0];
	p1 =	slt.u32 s11, $0x7C0;
	[tilespmem:s9+$0xFFFFFFF0] =	vst v9  }
0x118: {  	v9 =	vld [tilespmem:s14+$0x0];
	v5 =	vmul.f32 v7, v5;
	[tilespmem:s9+$0x0] =	vst v3  }
0x119: {  	s9 =	sadd.s32 $0x40, s9;
	v11 =	vld [tilespmem:s14+$0xFFFFFFE0]  }
0x11a: {  	v12 =	vmov v4;
	v3 =	vld.idx.msk [tilespmem:v2+s6+$0x0], $0xffff;
	[tilespmem:s9+$0x10] =	vst v5  }
0x11b: {  	v13 =	vld [tilespmem:s10+$0xFFFFFFE0]  }
0x11c: {  	v14 =	vld [tilespmem:s10+$0xFFFFFFF0]  }
.Ltmp8:
0x11d: {  	v6 =	vld [tilespmem:s10+$0x0];
	v2 =	vmov v9;
	(pc) =	sbr.rel @p1 .LBB2_13-.Ltmp8, $4  }
0x11e: {  	s10 =	sadd.s32 $0x40, s10;
	v5 =	vld.idx.msk [tilespmem:v10+s6+$0x0], $0xffff  }
0x11f: {  	v7 =	vld [tilespmem:s10+$0x10]  }
0x120: {  	v4 =	vld.idx.msk [tilespmem:v8+s6+$0x0], $0xffff;
	v8 =	vmul.f32 v13, v1  }
0x121: {  	s14 =	sadd.s32 $0x40, s14;
	v1 =	vld.idx.msk [tilespmem:v11+s6+$0x0], $0xffff;
	v9 =	vmul.f32 v14, v12  }
0x122: {  	_ =	sdelay $0x3  }
0x123: {  	v2 =	vld.idx.msk [tilespmem:v2+s6+$0x0], $0xffff  }
0x124: {  	v10 =	vld [tilespmem:s10+$0xFFFFFFE0]  }
0x125: {  	v11 =	vld [tilespmem:s10+$0xFFFFFFF0]  }
0x126: {  	v12 =	vld [tilespmem:s10+$0x0]  }
0x127: {  	[tilespmem:s9+$0xFFFFFFE0] =	vst v8;
	v3 =	vmul.f32 v6, v3  }
0x128: {  	[tilespmem:s9+$0xFFFFFFF0] =	vst v9;
	v5 =	vmul.f32 v7, v5  }
0x129: {  	s16 =	sadd.s32 $0x40, s9;
	[tilespmem:s9+$0x0] =	vst v3;
	v1 =	vmul.f32 v10, v1  }
0x12a: {  	[tilespmem:s16+$0x10] =	vst v5;
	v3 =	vmul.f32 v11, v4  }
0x12b: {  	[tilespmem:s16+$0xFFFFFFE0] =	vst v1;
	v1 =	vmul.f32 v12, v2  }
0x12c: {  	[tilespmem:s16+$0xFFFFFFF0] =	vst v3  }
.Ltmp9:
0x12d: {  	[tilespmem:s16+$0x0] =	vst v1;
	(pc) =	sbr.rel .LBB2_15-.Ltmp9, $4  }
0x12e: {  	[spmem:s5] =	stream.indirect.scatter.add.f32 [tilespmem:s28], [sflag:$0x3], $0x1, s23, s26, $0xb8;
	[tilespmem:$0x1F900] =	vst v63  }
0x12f: {  	_ =	swait.ge [sflag:s0], $0x800  }
0x130: {  	[sflag:s0] =	ssyncset.done $0x0  }
0x131: {  	[sflag:s0] =	ssyncadd.s32 $0xFFFFF800  }
.LBB2_16:
0x132: {  	_ =	sfence.sel $0x180000  }
0x133: {  	[bflag:$0x0] =	sbarrier.arrive $0xFFFF  }
0x134: {  	_ =	strace $0x90000047  }
0x135: {  	s0 =	stileid.u32;
	[bflag:$0x2] =	sbarrier.arrive $0xFFFF  }
0x136: {  	p0 =	sne.s32 s0, $0x0;
	s0 =	rddreg [dreg:$0x5]  }
0x137: {  	s0 =	sadd.s32 @!p0 $0x100000, s0  }
0x138: {  	[sflag:s0] =	ssyncadd.tile.s32 @!p0 $0x1;
	_ =	shalt  }
.Lfunc_end2:
_tile_overlayer_lowered:
.L_overlay_start_2:
0x139: {  	(tag) =	ssettag $0x2  }
0x13a: {  	s0 =	rddreg [dreg:$0x0];
	s2 =	stileid.u32  }
0x13b: {  	s1 =	rddreg [dreg:$0x1];
	p0 =	sne.s32 s2, $0x0  }
0x13c: {  	s3 =	rddreg [dreg:$0x2];
	[bflag:$0x3] =	sbarrier.arrive $0xFFFF;
	s2 =	simm.s32 @!p0 $0x1C04  }
0x13d: {  	[timem:s3], [sflag:s2] =	dma.local @!p0 [hbm:s0], s1  }
0x13e: {  	s0 =	simm.s32 @!p0 $0x4  }
0x13f: {  	_ =	swait.ge @!p0 [sflag:s0], s1  }
0x140: {  	s1 =	ssub.s32 @!p0 $0x0, s1;
	[sflag:s0] =	ssyncset.done @!p0 $0x0  }
0x141: {  	[sflag:s0] =	ssyncadd.s32 @!p0 s1  }
0x142: {  	[bflag:$0x3] =	sbarrier.arrive $0xFFFF  }
0x143: {  	_ =	shalt  }

</sc_bundles>
